<compile_context>
chip_gen: v7x
topology: tpu7x:2x2x1
jax: 0.10.2.dev20260603
libtpu: 0.0.44.dev20260713+nightly
codegen_flags: <defaults>
</compile_context>

<pallas_src>
import functools

import jax
import jax.numpy as jnp
from jax import lax
from jax.experimental import pallas as pl
from jax.experimental.pallas import tpu as pltpu
from jax.experimental.pallas import tpu_sc as plsc

N = 10000
E = 320000
D = 128
H = 128
C = 20

NUM_SC = 2
TILES = 16
WORKERS = NUM_SC * TILES
EPT = E // WORKERS
KA = 80
KB = 64
GRP = 2 * KA + KB
NG = EPT // GRP
NPAD = 10240
RPT = NPAD // TILES
ZR = 80
WR = 128


def _sc_agg_body(x_hbm, ei_hbm, out_hbm, agg_sh, src_all, dst_all,
                 rows0, rows1, rows2, sem_i, g0, g1, g2, s0, s1, s2):
    c = lax.axis_index("c")
    s = lax.axis_index("s")
    w = c * TILES + s

    i0 = pltpu.async_copy(ei_hbm.at[pl.ds(w * EPT, EPT)], src_all, sem_i)
    i1 = pltpu.async_copy(ei_hbm.at[pl.ds(E + w * EPT, EPT)], dst_all, sem_i)

    def _gat(sem, rows, off, n):
        return pltpu.async_copy(
            x_hbm.at[src_all.at[pl.ds(off, n)]], rows.at[pl.ds(0, n)], sem)

    def _scat_async(sem, rows, off, n):
        return [
            pltpu.async_copy(
                rows.at[pl.ds(j * 16, 16)],
                agg_sh.at[dst_all[pl.ds(off + j * 16, 16)]],
                sem, add=True)
            for j in range(n // 16)
        ]

    i0.wait()
    i1.wait()
    _gat(g1, rows1, KA, KA)
    _gat(g2, rows2, 2 * KA, KB)

    def _zrow(r, _):
        def _zlane(j, _):
            rows0[r, pl.ds(j * 16, 16)] = jnp.zeros((16,), jnp.float32)
            return 0
        return lax.fori_loop(0, D // 16, _zlane, 0)
    lax.fori_loop(0, ZR, _zrow, 0)
    for b in range(RPT // ZR):
        pltpu.sync_copy(rows0, agg_sh.at[pl.ds(s * RPT + b * ZR, ZR)])
    plsc.subcore_barrier()
    _gat(g0, rows0, 0, KA)

    def _grp(g, _):
        base = g * GRP
        pltpu.make_async_copy(
            x_hbm.at[src_all.at[pl.ds(base, KA)]],
            rows0.at[pl.ds(0, KA)], g0).wait()
        ds0 = _scat_async(s0, rows0, base, KA)
        for d in ds0:
            d.wait()
        _gat(g0, rows0, base + GRP, KA)
        pltpu.make_async_copy(
            x_hbm.at[src_all.at[pl.ds(base + KA, KA)]],
            rows1.at[pl.ds(0, KA)], g1).wait()
        ds1 = _scat_async(s1, rows1, base + KA, KA)
        for d in ds1:
            d.wait()
        @pl.when(g < NG - 1)
        def _():
            _gat(g1, rows1, base + GRP + KA, KA)
        @pl.when(g == NG - 1)
        def _():
            _gat(g1, rows1, NG * GRP + KA, KB)
        pltpu.make_async_copy(
            x_hbm.at[src_all.at[pl.ds(base + 2 * KA, KB)]],
            rows2.at[pl.ds(0, KB)], g2).wait()
        ds2 = _scat_async(s2, rows2, base + 2 * KA, KB)
        for d in ds2:
            d.wait()
        @pl.when(g < NG - 1)
        def _():
            _gat(g2, rows2, base + GRP + 2 * KA, KB)
        return 0
    lax.fori_loop(0, NG, _grp, 0)

    tb = NG * GRP
    pltpu.make_async_copy(
        x_hbm.at[src_all.at[pl.ds(tb, KA)]], rows0.at[pl.ds(0, KA)], g0).wait()
    for d in _scat_async(s0, rows0, tb, KA):
        d.wait()
    pltpu.make_async_copy(
        x_hbm.at[src_all.at[pl.ds(tb + KA, KB)]],
        rows1.at[pl.ds(0, KB)], g1).wait()
    for d in _scat_async(s1, rows1, tb + KA, KB):
        d.wait()
    plsc.subcore_barrier()

    for b in range(RPT // WR):
        r0 = s * RPT + b * WR
        pltpu.sync_copy(agg_sh.at[pl.ds(r0, WR)], out_hbm.at[c, pl.ds(r0, WR)])


@functools.cache
def _sc_agg():
    return pl.kernel(
        _sc_agg_body,
        out_type=jax.ShapeDtypeStruct((NUM_SC, NPAD, D), jnp.float32),
        mesh=plsc.VectorSubcoreMesh(core_axis_name="c", subcore_axis_name="s"),
        scratch_types=[
            pltpu.VMEM_SHARED((NPAD, D), jnp.float32),
            pltpu.VMEM((EPT,), jnp.int32),
            pltpu.VMEM((EPT,), jnp.int32),
            pltpu.VMEM((KA, D), jnp.float32),
            pltpu.VMEM((KA, D), jnp.float32),
            pltpu.VMEM((KB, D), jnp.float32),
            pltpu.SemaphoreType.DMA,
            pltpu.SemaphoreType.DMA,
            pltpu.SemaphoreType.DMA,
            pltpu.SemaphoreType.DMA,
            pltpu.SemaphoreType.DMA,
            pltpu.SemaphoreType.DMA,
            pltpu.SemaphoreType.DMA,
        ],
    )


B = 2000
NB = N // B


def _head_body(x_ref, agg_ref, lab_ref, wc_ref, w1_ref, b1_ref, w2_ref, b2_ref,
               logp_ref, loss_ref, acc_ref):
    i = pl.program_id(0)
    z = x_ref[...] + agg_ref[0] + agg_ref[1]
    h = jnp.maximum(
        jnp.dot(z, w1_ref[...], preferred_element_type=jnp.float32) + b1_ref[...],
        0.0)
    logits = (jnp.dot(h, w2_ref[...], preferred_element_type=jnp.float32)
              + b2_ref[...])
    m = jnp.max(logits, axis=1, keepdims=True)
    lse = m + jnp.log(jnp.sum(jnp.exp(logits - m), axis=1, keepdims=True))
    logp = logits - lse
    logp_ref[...] = logp

    lab = lab_ref[0, 0, :]
    valid = (lab != -1)
    safe = jnp.where(valid, lab, 0)
    onehot = (safe[:, None] == lax.broadcasted_iota(jnp.int32, (B, C), 1))
    nll = -jnp.sum(jnp.where(onehot, logp, 0.0), axis=1)
    wrow = jnp.sum(jnp.where(onehot, wc_ref[...], 0.0), axis=1)
    wght = wrow * valid.astype(jnp.float32)

    @pl.when(i == 0)
    def _():
        acc_ref[0] = 0.0
        acc_ref[1] = 0.0
    acc_ref[0] += jnp.sum(wght * nll)
    acc_ref[1] += jnp.sum(wght)

    @pl.when(i == NB - 1)
    def _():
        loss_ref[...] = jnp.broadcast_to(acc_ref[0] / acc_ref[1], (1, 1))


def _head(x, aggp, labels3, wc2, W1, b12, W2, b22):
    return pl.pallas_call(
        _head_body,
        grid=(NB,),
        in_specs=[
            pl.BlockSpec((B, D), lambda i: (i, 0)),
            pl.BlockSpec((NUM_SC, B, D), lambda i: (0, i, 0)),
            pl.BlockSpec((1, 1, B), lambda i: (i, 0, 0)),
            pl.BlockSpec((1, C), lambda i: (0, 0)),
            pl.BlockSpec((D, H), lambda i: (0, 0)),
            pl.BlockSpec((1, H), lambda i: (0, 0)),
            pl.BlockSpec((H, C), lambda i: (0, 0)),
            pl.BlockSpec((1, C), lambda i: (0, 0)),
        ],
        out_specs=[
            pl.BlockSpec((B, C), lambda i: (i, 0)),
            pl.BlockSpec((1, 1), lambda i: (0, 0)),
        ],
        out_shape=[
            jax.ShapeDtypeStruct((N, C), jnp.float32),
            jax.ShapeDtypeStruct((1, 1), jnp.float32),
        ],
        scratch_shapes=[pltpu.SMEM((2,), jnp.float32)],
    )(x, aggp, labels3, wc2, W1, b12, W2, b22)


@jax.jit
def kernel(x, edge_index, labels, weight_classes, W1, b1, W2, b2):
    aggp = _sc_agg()(x, edge_index.reshape(2 * E))
    logp, loss = _head(
        x, aggp,
        labels.reshape(NB, 1, B),
        weight_classes.reshape(1, C),
        W1, b1.reshape(1, H), W2, b2.reshape(1, C),
    )
    return logp, loss.reshape(())

# --- scband reference (transcript-rebuilt; emitter-appended) ---
"""Pipeline reference for scband-apimodel-31215822308137 (READ-ONLY COPY).

The authoritative reference and input builder live on the scoring server;
editing this copy changes nothing except your own understanding.
"""

import jax, jax.numpy as jnp
import numpy as np

N = 10000
E = 320000
D = 128
H = 128
C = 20

def setup_inputs(seed: int = 0):
    key = jax.random.key(seed)
    ks = jax.random.split(key, 8)
    x = jax.random.normal(ks[0], (N, D), dtype=jnp.float32)
    edge_index = jax.random.randint(ks[1], (2, E), 0, N, dtype=jnp.int32)
    labels = jax.random.randint(ks[2], (N,), 0, C, dtype=jnp.int32)
    weight_classes = jnp.ones((C,), dtype=jnp.float32)
    W1 = jax.random.normal(ks[3], (D, H), dtype=jnp.float32) * (1.0 / np.sqrt(D))
    b1 = jnp.zeros((H,), dtype=jnp.float32)
    W2 = jax.random.normal(ks[4], (H, C), dtype=jnp.float32) * (1.0 / np.sqrt(H))
    b2 = jnp.zeros((C,), dtype=jnp.float32)
    return {"x": x, "edge_index": edge_index, "labels": labels, "weight_classes": weight_classes, "W1": W1, "b1": b1, "W2": W2, "b2": b2}

def reference(x, edge_index, labels, weight_classes, W1, b1, W2, b2):
    # Backbone (sparse 3D conv U-Net approximated as one gather/scatter
    # message-passing layer over the voxel neighbor graph):
    src = edge_index[0]
    dst = edge_index[1]
    msgs = jnp.take(x, src, axis=0)                                   # gather (SparseCore)
    agg = jax.ops.segment_sum(msgs, dst, num_segments=x.shape[0])     # scatter-add (SparseCore)
    h = jax.nn.relu((x + agg) @ W1 + b1)
    # Head: Linear -> log_softmax
    logits = h @ W2 + b2
    logp = jax.nn.log_softmax(logits, axis=-1)
    # F.nll_loss(output, labels, ignore_index=-1, weight=weight_classes)
    valid = (labels != -1)
    safe_labels = jnp.where(valid, labels, 0)
    w = weight_classes[safe_labels] * valid.astype(jnp.float32)
    nll = -jnp.take_along_axis(logp, safe_labels[:, None], axis=1)[:, 0]
    loss_seg = jnp.sum(w * nll) / jnp.sum(w)
    return logp, loss_seg

if __name__ == "__main__":
    import jax
    _d = setup_inputs()
    print(jax.jit(kernel)(*tuple(_d.values())))

</pallas_src>

<mosaic_0001>
#map = affine_map<(d0, d1) -> (0, 0)>
#map1 = affine_map<(d0, d1) -> (0)>
#map2 = affine_map<(d0, d1) -> (0, 0, 0)>
module attributes {stable_mosaic.version = 14 : i64} {
  func.func @_sc_agg_body(%arg0: i32, %arg1: i32, %arg2: memref<10000x128xf32, #tpu.memory_space<hbm>>, %arg3: memref<640000xi32, #tpu.memory_space<hbm>>, %arg4: memref<2x10240x128xf32, #tpu.memory_space<hbm>>, %arg5: memref<10240x128xf32, #tpu.memory_space<vmem_shared>>, %arg6: memref<10000xi32, #tpu.memory_space<vmem>>, %arg7: memref<10000xi32, #tpu.memory_space<vmem>>, %arg8: memref<80x128xf32, #tpu.memory_space<vmem>>, %arg9: memref<80x128xf32, #tpu.memory_space<vmem>>, %arg10: memref<64x128xf32, #tpu.memory_space<vmem>>, %arg11: memref<!tpu.dma_semaphore, #tpu.memory_space<semaphore_mem>>, %arg12: memref<!tpu.dma_semaphore, #tpu.memory_space<semaphore_mem>>, %arg13: memref<!tpu.dma_semaphore, #tpu.memory_space<semaphore_mem>>, %arg14: memref<!tpu.dma_semaphore, #tpu.memory_space<semaphore_mem>>, %arg15: memref<!tpu.dma_semaphore, #tpu.memory_space<semaphore_mem>>, %arg16: memref<!tpu.dma_semaphore, #tpu.memory_space<semaphore_mem>>, %arg17: memref<!tpu.dma_semaphore, #tpu.memory_space<semaphore_mem>>) attributes {dimension_semantics = [#tpu.dimension_semantics<core_parallel>, #tpu.dimension_semantics<subcore_parallel>], iteration_bounds = array<i64: 2, 16>, scalar_prefetch = 0 : i64, scratch_operands = 13 : i64, tpu.core_type = #tpu.core_type<sc_vector_subcore>, window_params = [{transform_indices = #map}, {transform_indices = #map1}, {transform_indices = #map2}]} {
    %mul3A = arith.constant 16 : i32
    %mul3A_0 = arith.muli %arg0, %mul3A : i32
    %add3A = arith.addi %mul3A_0, %arg1 : i32
    %mul3A_1 = arith.constant 10000 : i32
    %mul3A_2 = arith.muli %add3A, %mul3A_1 : i32
    %dma_start3A = tpu.memref_slice %arg3[%mul3A_2] : memref<640000xi32, #tpu.memory_space<hbm>> -> memref<10000xi32, #tpu.memory_space<hbm>>
    %dma_start3A_3 = tpu.memref_slice %arg3[%mul3A_2] : memref<640000xi32, #tpu.memory_space<hbm>> -> memref<10000xi32, #tpu.memory_space<hbm>>
    tpu.enqueue_dma source(%dma_start3A_3 : memref<10000xi32, #tpu.memory_space<hbm>>) target(%arg6 : memref<10000xi32, #tpu.memory_space<vmem>>) target_semaphore(%arg11 : memref<!tpu.dma_semaphore, #tpu.memory_space<semaphore_mem>>)
    %mul3A_4 = arith.constant 10000 : i32
    %mul3A_5 = arith.muli %add3A, %mul3A_4 : i32
    %add3A_6 = arith.constant 320000 : i32
    %add3A_7 = arith.addi %add3A_6, %mul3A_5 : i32
    %dma_start3A_8 = tpu.memref_slice %arg3[%add3A_7] : memref<640000xi32, #tpu.memory_space<hbm>> -> memref<10000xi32, #tpu.memory_space<hbm>>
    %dma_start3A_9 = tpu.memref_slice %arg3[%add3A_7] : memref<640000xi32, #tpu.memory_space<hbm>> -> memref<10000xi32, #tpu.memory_space<hbm>>
    tpu.enqueue_dma source(%dma_start3A_9 : memref<10000xi32, #tpu.memory_space<hbm>>) target(%arg7 : memref<10000xi32, #tpu.memory_space<vmem>>) target_semaphore(%arg11 : memref<!tpu.dma_semaphore, #tpu.memory_space<semaphore_mem>>)
    %dma_wait3A = tpu.memref_slice %arg3[%mul3A_2] : memref<640000xi32, #tpu.memory_space<hbm>> -> memref<10000xi32, #tpu.memory_space<hbm>>
    %dma_wait3A_10 = tpu.memref_slice %arg3[%mul3A_2] : memref<640000xi32, #tpu.memory_space<hbm>> -> memref<10000xi32, #tpu.memory_space<hbm>>
    tpu.wait_dma2 semaphore(%arg11 : memref<!tpu.dma_semaphore, #tpu.memory_space<semaphore_mem>>) src(%dma_wait3A_10 : memref<10000xi32, #tpu.memory_space<hbm>>) dst(%arg6 : memref<10000xi32, #tpu.memory_space<vmem>>)
    %dma_wait3A_11 = tpu.memref_slice %arg3[%add3A_7] : memref<640000xi32, #tpu.memory_space<hbm>> -> memref<10000xi32, #tpu.memory_space<hbm>>
    %dma_wait3A_12 = tpu.memref_slice %arg3[%add3A_7] : memref<640000xi32, #tpu.memory_space<hbm>> -> memref<10000xi32, #tpu.memory_space<hbm>>
    tpu.wait_dma2 semaphore(%arg11 : memref<!tpu.dma_semaphore, #tpu.memory_space<semaphore_mem>>) src(%dma_wait3A_12 : memref<10000xi32, #tpu.memory_space<hbm>>) dst(%arg7 : memref<10000xi32, #tpu.memory_space<vmem>>)
    %dma_start3A_13 = arith.constant 0 : i32
    %dma_start3A_14 = arith.constant 0 : i32
    %dma_start3A_15 = tpu.memref_slice %arg9[%dma_start3A_13, %dma_start3A_14] : memref<80x128xf32, #tpu.memory_space<vmem>> -> memref<80x128xf32, #tpu.memory_space<vmem>>
    %dma_start3A_16 = arith.constant 80 : i32
    %dma_start3A_17 = tpu.memref_slice %arg6[%dma_start3A_16] : memref<10000xi32, #tpu.memory_space<vmem>> -> memref<80xi32, #tpu.memory_space<vmem>>
    %dma_start3A_18 = arith.constant 0 : i32
    %dma_start3A_19 = arith.constant 0 : i32
    %dma_start3A_20 = tpu.memref_slice %arg2[%dma_start3A_18, %dma_start3A_19] : memref<10000x128xf32, #tpu.memory_space<hbm>> -> memref<10000x128xf32, #tpu.memory_space<hbm>>
    tpu.enqueue_indirect_dma source(%dma_start3A_20 : memref<10000x128xf32, #tpu.memory_space<hbm>>) target(%dma_start3A_15 : memref<80x128xf32, #tpu.memory_space<vmem>>) offsets(%dma_start3A_17 : memref<80xi32, #tpu.memory_space<vmem>>) semaphore(%arg13 : memref<!tpu.dma_semaphore, #tpu.memory_space<semaphore_mem>>)
    %dma_start3A_21 = arith.constant 0 : i32
    %dma_start3A_22 = arith.constant 0 : i32
    %dma_start3A_23 = tpu.memref_slice %arg10[%dma_start3A_21, %dma_start3A_22] : memref<64x128xf32, #tpu.memory_space<vmem>> -> memref<64x128xf32, #tpu.memory_space<vmem>>
    %dma_start3A_24 = arith.constant 160 : i32
    %dma_start3A_25 = tpu.memref_slice %arg6[%dma_start3A_24] : memref<10000xi32, #tpu.memory_space<vmem>> -> memref<64xi32, #tpu.memory_space<vmem>>
    %dma_start3A_26 = arith.constant 0 : i32
    %dma_start3A_27 = arith.constant 0 : i32
    %dma_start3A_28 = tpu.memref_slice %arg2[%dma_start3A_26, %dma_start3A_27] : memref<10000x128xf32, #tpu.memory_space<hbm>> -> memref<10000x128xf32, #tpu.memory_space<hbm>>
    tpu.enqueue_indirect_dma source(%dma_start3A_28 : memref<10000x128xf32, #tpu.memory_space<hbm>>) target(%dma_start3A_23 : memref<64x128xf32, #tpu.memory_space<vmem>>) offsets(%dma_start3A_25 : memref<64xi32, #tpu.memory_space<vmem>>) semaphore(%arg14 : memref<!tpu.dma_semaphore, #tpu.memory_space<semaphore_mem>>)
    %scan3A = arith.constant 0 : i32
    %scan3A_29 = arith.constant 0 : i32
    %scan3A_30 = arith.constant 80 : i32
    %scan3A_31 = arith.addi %scan3A_29, %scan3A_30 : i32
    %scan3A_32 = arith.constant 1 : i32
    %scan3A_33 = scf.for %scan3A_253 = %scan3A_29 to %scan3A_31 step %scan3A_32 iter_args(%scan3A_254 = %scan3A) -> (i32)  : i32 {
      %scan3A_255 = arith.constant 0 : i32
      %scan3A_256 = arith.constant 0 : i32
      %scan3A_257 = arith.constant 8 : i32
      %scan3A_258 = arith.addi %scan3A_256, %scan3A_257 : i32
      %scan3A_259 = arith.constant 1 : i32
      %scan3A_260 = scf.for %scan3A_262 = %scan3A_256 to %scan3A_258 step %scan3A_259 iter_args(%scan3A_263 = %scan3A_255) -> (i32)  : i32 {
        %broadcast_in_dim3A = arith.constant 0.000000e+00 : f32
        %broadcast_in_dim3A_264 = vector.broadcast %broadcast_in_dim3A : f32 to vector<16xf32>
        %mul3A_265 = arith.constant 16 : i32
        %mul3A_266 = arith.muli %scan3A_262, %mul3A_265 : i32
        %swap3A = arith.index_cast %scan3A_253 : i32 to index
        %swap3A_267 = arith.index_cast %mul3A_266 : i32 to index
        %swap3A_268 = tpu.vector_load %arg8[%swap3A, %swap3A_267] {strides = array<i32>} : memref<80x128xf32, #tpu.memory_space<vmem>>, vector<1x16xf32>,
        %swap3A_269 = vector.shape_cast %swap3A_268 : vector<1x16xf32> to vector<16xf32>
        %swap3A_270 = vector.shape_cast %broadcast_in_dim3A_264 : vector<16xf32> to vector<1x16xf32>
        tpu.vector_store %arg8[%swap3A, %swap3A_267], %swap3A_270 {strides = array<i32>} : memref<80x128xf32, #tpu.memory_space<vmem>>, vector<1x16xf32>,
        %scan3A_271 = arith.constant 0 : i32
        scf.yield %scan3A_271 : i32
      }
      %scan3A_261 = arith.constant 8 : i32
      scf.yield %scan3A_260 : i32
    }
    %scan3A_34 = arith.constant 80 : i32
    %mul3A_35 = arith.constant 640 : i32
    %mul3A_36 = arith.muli %arg1, %mul3A_35 : i32
    %add3A_37 = arith.constant 0 : i32
    %add3A_38 = arith.addi %mul3A_36, %add3A_37 : i32
    "tpu.region"() ({
      %run_scoped3A = tpu.sem_alloc : memref<!tpu.dma_semaphore, #tpu.memory_space<semaphore_mem>>
      %dma_start3A_253 = arith.constant 0 : i32
      %dma_start3A_254 = tpu.memref_slice %arg5[%add3A_38, %dma_start3A_253] : memref<10240x128xf32, #tpu.memory_space<vmem_shared>> -> memref<80x128xf32, #tpu.memory_space<vmem_shared>>
      %dma_start3A_255 = arith.constant 0 : i32
      %dma_start3A_256 = tpu.memref_slice %arg5[%add3A_38, %dma_start3A_255] : memref<10240x128xf32, #tpu.memory_space<vmem_shared>> -> memref<80x128xf32, #tpu.memory_space<vmem_shared>>
      tpu.enqueue_dma source(%arg8 : memref<80x128xf32, #tpu.memory_space<vmem>>) target(%dma_start3A_256 : memref<80x128xf32, #tpu.memory_space<vmem_shared>>) target_semaphore(%run_scoped3A : memref<!tpu.dma_semaphore, #tpu.memory_space<semaphore_mem>>)
      %dma_wait3A_257 = arith.constant 0 : i32
      %dma_wait3A_258 = tpu.memref_slice %arg5[%add3A_38, %dma_wait3A_257] : memref<10240x128xf32, #tpu.memory_space<vmem_shared>> -> memref<80x128xf32, #tpu.memory_space<vmem_shared>>
      %dma_wait3A_259 = arith.constant 0 : i32
      %dma_wait3A_260 = tpu.memref_slice %arg5[%add3A_38, %dma_wait3A_259] : memref<10240x128xf32, #tpu.memory_space<vmem_shared>> -> memref<80x128xf32, #tpu.memory_space<vmem_shared>>
      tpu.wait_dma2 semaphore(%run_scoped3A : memref<!tpu.dma_semaphore, #tpu.memory_space<semaphore_mem>>) src(%arg8 : memref<80x128xf32, #tpu.memory_space<vmem>>) dst(%dma_wait3A_260 : memref<80x128xf32, #tpu.memory_space<vmem_shared>>)
      tpu.yield
    }) : () -> ()
    %mul3A_39 = arith.constant 640 : i32
    %mul3A_40 = arith.muli %arg1, %mul3A_39 : i32
    %add3A_41 = arith.constant 80 : i32
    %add3A_42 = arith.addi %mul3A_40, %add3A_41 : i32
    "tpu.region"() ({
      %run_scoped3A = tpu.sem_alloc : memref<!tpu.dma_semaphore, #tpu.memory_space<semaphore_mem>>
      %dma_start3A_253 = arith.constant 0 : i32
      %dma_start3A_254 = tpu.memref_slice %arg5[%add3A_42, %dma_start3A_253] : memref<10240x128xf32, #tpu.memory_space<vmem_shared>> -> memref<80x128xf32, #tpu.memory_space<vmem_shared>>
      %dma_start3A_255 = arith.constant 0 : i32
      %dma_start3A_256 = tpu.memref_slice %arg5[%add3A_42, %dma_start3A_255] : memref<10240x128xf32, #tpu.memory_space<vmem_shared>> -> memref<80x128xf32, #tpu.memory_space<vmem_shared>>
      tpu.enqueue_dma source(%arg8 : memref<80x128xf32, #tpu.memory_space<vmem>>) target(%dma_start3A_256 : memref<80x128xf32, #tpu.memory_space<vmem_shared>>) target_semaphore(%run_scoped3A : memref<!tpu.dma_semaphore, #tpu.memory_space<semaphore_mem>>)
      %dma_wait3A_257 = arith.constant 0 : i32
      %dma_wait3A_258 = tpu.memref_slice %arg5[%add3A_42, %dma_wait3A_257] : memref<10240x128xf32, #tpu.memory_space<vmem_shared>> -> memref<80x128xf32, #tpu.memory_space<vmem_shared>>
      %dma_wait3A_259 = arith.constant 0 : i32
      %dma_wait3A_260 = tpu.memref_slice %arg5[%add3A_42, %dma_wait3A_259] : memref<10240x128xf32, #tpu.memory_space<vmem_shared>> -> memref<80x128xf32, #tpu.memory_space<vmem_shared>>
      tpu.wait_dma2 semaphore(%run_scoped3A : memref<!tpu.dma_semaphore, #tpu.memory_space<semaphore_mem>>) src(%arg8 : memref<80x128xf32, #tpu.memory_space<vmem>>) dst(%dma_wait3A_260 : memref<80x128xf32, #tpu.memory_space<vmem_shared>>)
      tpu.yield
    }) : () -> ()
    %mul3A_43 = arith.constant 640 : i32
    %mul3A_44 = arith.muli %arg1, %mul3A_43 : i32
    %add3A_45 = arith.constant 160 : i32
    %add3A_46 = arith.addi %mul3A_44, %add3A_45 : i32
    "tpu.region"() ({
      %run_scoped3A = tpu.sem_alloc : memref<!tpu.dma_semaphore, #tpu.memory_space<semaphore_mem>>
      %dma_start3A_253 = arith.constant 0 : i32
      %dma_start3A_254 = tpu.memref_slice %arg5[%add3A_46, %dma_start3A_253] : memref<10240x128xf32, #tpu.memory_space<vmem_shared>> -> memref<80x128xf32, #tpu.memory_space<vmem_shared>>
      %dma_start3A_255 = arith.constant 0 : i32
      %dma_start3A_256 = tpu.memref_slice %arg5[%add3A_46, %dma_start3A_255] : memref<10240x128xf32, #tpu.memory_space<vmem_shared>> -> memref<80x128xf32, #tpu.memory_space<vmem_shared>>
      tpu.enqueue_dma source(%arg8 : memref<80x128xf32, #tpu.memory_space<vmem>>) target(%dma_start3A_256 : memref<80x128xf32, #tpu.memory_space<vmem_shared>>) target_semaphore(%run_scoped3A : memref<!tpu.dma_semaphore, #tpu.memory_space<semaphore_mem>>)
      %dma_wait3A_257 = arith.constant 0 : i32
      %dma_wait3A_258 = tpu.memref_slice %arg5[%add3A_46, %dma_wait3A_257] : memref<10240x128xf32, #tpu.memory_space<vmem_shared>> -> memref<80x128xf32, #tpu.memory_space<vmem_shared>>
      %dma_wait3A_259 = arith.constant 0 : i32
      %dma_wait3A_260 = tpu.memref_slice %arg5[%add3A_46, %dma_wait3A_259] : memref<10240x128xf32, #tpu.memory_space<vmem_shared>> -> memref<80x128xf32, #tpu.memory_space<vmem_shared>>
      tpu.wait_dma2 semaphore(%run_scoped3A : memref<!tpu.dma_semaphore, #tpu.memory_space<semaphore_mem>>) src(%arg8 : memref<80x128xf32, #tpu.memory_space<vmem>>) dst(%dma_wait3A_260 : memref<80x128xf32, #tpu.memory_space<vmem_shared>>)
      tpu.yield
    }) : () -> ()
    %mul3A_47 = arith.constant 640 : i32
    %mul3A_48 = arith.muli %arg1, %mul3A_47 : i32
    %add3A_49 = arith.constant 240 : i32
    %add3A_50 = arith.addi %mul3A_48, %add3A_49 : i32
    "tpu.region"() ({
      %run_scoped3A = tpu.sem_alloc : memref<!tpu.dma_semaphore, #tpu.memory_space<semaphore_mem>>
      %dma_start3A_253 = arith.constant 0 : i32
      %dma_start3A_254 = tpu.memref_slice %arg5[%add3A_50, %dma_start3A_253] : memref<10240x128xf32, #tpu.memory_space<vmem_shared>> -> memref<80x128xf32, #tpu.memory_space<vmem_shared>>
      %dma_start3A_255 = arith.constant 0 : i32
      %dma_start3A_256 = tpu.memref_slice %arg5[%add3A_50, %dma_start3A_255] : memref<10240x128xf32, #tpu.memory_space<vmem_shared>> -> memref<80x128xf32, #tpu.memory_space<vmem_shared>>
      tpu.enqueue_dma source(%arg8 : memref<80x128xf32, #tpu.memory_space<vmem>>) target(%dma_start3A_256 : memref<80x128xf32, #tpu.memory_space<vmem_shared>>) target_semaphore(%run_scoped3A : memref<!tpu.dma_semaphore, #tpu.memory_space<semaphore_mem>>)
      %dma_wait3A_257 = arith.constant 0 : i32
      %dma_wait3A_258 = tpu.memref_slice %arg5[%add3A_50, %dma_wait3A_257] : memref<10240x128xf32, #tpu.memory_space<vmem_shared>> -> memref<80x128xf32, #tpu.memory_space<vmem_shared>>
      %dma_wait3A_259 = arith.constant 0 : i32
      %dma_wait3A_260 = tpu.memref_slice %arg5[%add3A_50, %dma_wait3A_259] : memref<10240x128xf32, #tpu.memory_space<vmem_shared>> -> memref<80x128xf32, #tpu.memory_space<vmem_shared>>
      tpu.wait_dma2 semaphore(%run_scoped3A : memref<!tpu.dma_semaphore, #tpu.memory_space<semaphore_mem>>) src(%arg8 : memref<80x128xf32, #tpu.memory_space<vmem>>) dst(%dma_wait3A_260 : memref<80x128xf32, #tpu.memory_space<vmem_shared>>)
      tpu.yield
    }) : () -> ()
    %mul3A_51 = arith.constant 640 : i32
    %mul3A_52 = arith.muli %arg1, %mul3A_51 : i32
    %add3A_53 = arith.constant 320 : i32
    %add3A_54 = arith.addi %mul3A_52, %add3A_53 : i32
    "tpu.region"() ({
      %run_scoped3A = tpu.sem_alloc : memref<!tpu.dma_semaphore, #tpu.memory_space<semaphore_mem>>
      %dma_start3A_253 = arith.constant 0 : i32
      %dma_start3A_254 = tpu.memref_slice %arg5[%add3A_54, %dma_start3A_253] : memref<10240x128xf32, #tpu.memory_space<vmem_shared>> -> memref<80x128xf32, #tpu.memory_space<vmem_shared>>
      %dma_start3A_255 = arith.constant 0 : i32
      %dma_start3A_256 = tpu.memref_slice %arg5[%add3A_54, %dma_start3A_255] : memref<10240x128xf32, #tpu.memory_space<vmem_shared>> -> memref<80x128xf32, #tpu.memory_space<vmem_shared>>
      tpu.enqueue_dma source(%arg8 : memref<80x128xf32, #tpu.memory_space<vmem>>) target(%dma_start3A_256 : memref<80x128xf32, #tpu.memory_space<vmem_shared>>) target_semaphore(%run_scoped3A : memref<!tpu.dma_semaphore, #tpu.memory_space<semaphore_mem>>)
      %dma_wait3A_257 = arith.constant 0 : i32
      %dma_wait3A_258 = tpu.memref_slice %arg5[%add3A_54, %dma_wait3A_257] : memref<10240x128xf32, #tpu.memory_space<vmem_shared>> -> memref<80x128xf32, #tpu.memory_space<vmem_shared>>
      %dma_wait3A_259 = arith.constant 0 : i32
      %dma_wait3A_260 = tpu.memref_slice %arg5[%add3A_54, %dma_wait3A_259] : memref<10240x128xf32, #tpu.memory_space<vmem_shared>> -> memref<80x128xf32, #tpu.memory_space<vmem_shared>>
      tpu.wait_dma2 semaphore(%run_scoped3A : memref<!tpu.dma_semaphore, #tpu.memory_space<semaphore_mem>>) src(%arg8 : memref<80x128xf32, #tpu.memory_space<vmem>>) dst(%dma_wait3A_260 : memref<80x128xf32, #tpu.memory_space<vmem_shared>>)
      tpu.yield
    }) : () -> ()
    %mul3A_55 = arith.constant 640 : i32
    %mul3A_56 = arith.muli %arg1, %mul3A_55 : i32
    %add3A_57 = arith.constant 400 : i32
    %add3A_58 = arith.addi %mul3A_56, %add3A_57 : i32
    "tpu.region"() ({
      %run_scoped3A = tpu.sem_alloc : memref<!tpu.dma_semaphore, #tpu.memory_space<semaphore_mem>>
      %dma_start3A_253 = arith.constant 0 : i32
      %dma_start3A_254 = tpu.memref_slice %arg5[%add3A_58, %dma_start3A_253] : memref<10240x128xf32, #tpu.memory_space<vmem_shared>> -> memref<80x128xf32, #tpu.memory_space<vmem_shared>>
      %dma_start3A_255 = arith.constant 0 : i32
      %dma_start3A_256 = tpu.memref_slice %arg5[%add3A_58, %dma_start3A_255] : memref<10240x128xf32, #tpu.memory_space<vmem_shared>> -> memref<80x128xf32, #tpu.memory_space<vmem_shared>>
      tpu.enqueue_dma source(%arg8 : memref<80x128xf32, #tpu.memory_space<vmem>>) target(%dma_start3A_256 : memref<80x128xf32, #tpu.memory_space<vmem_shared>>) target_semaphore(%run_scoped3A : memref<!tpu.dma_semaphore, #tpu.memory_space<semaphore_mem>>)
      %dma_wait3A_257 = arith.constant 0 : i32
      %dma_wait3A_258 = tpu.memref_slice %arg5[%add3A_58, %dma_wait3A_257] : memref<10240x128xf32, #tpu.memory_space<vmem_shared>> -> memref<80x128xf32, #tpu.memory_space<vmem_shared>>
      %dma_wait3A_259 = arith.constant 0 : i32
      %dma_wait3A_260 = tpu.memref_slice %arg5[%add3A_58, %dma_wait3A_259] : memref<10240x128xf32, #tpu.memory_space<vmem_shared>> -> memref<80x128xf32, #tpu.memory_space<vmem_shared>>
      tpu.wait_dma2 semaphore(%run_scoped3A : memref<!tpu.dma_semaphore, #tpu.memory_space<semaphore_mem>>) src(%arg8 : memref<80x128xf32, #tpu.memory_space<vmem>>) dst(%dma_wait3A_260 : memref<80x128xf32, #tpu.memory_space<vmem_shared>>)
      tpu.yield
    }) : () -> ()
    %mul3A_59 = arith.constant 640 : i32
    %mul3A_60 = arith.muli %arg1, %mul3A_59 : i32
    %add3A_61 = arith.constant 480 : i32
    %add3A_62 = arith.addi %mul3A_60, %add3A_61 : i32
    "tpu.region"() ({
      %run_scoped3A = tpu.sem_alloc : memref<!tpu.dma_semaphore, #tpu.memory_space<semaphore_mem>>
      %dma_start3A_253 = arith.constant 0 : i32
      %dma_start3A_254 = tpu.memref_slice %arg5[%add3A_62, %dma_start3A_253] : memref<10240x128xf32, #tpu.memory_space<vmem_shared>> -> memref<80x128xf32, #tpu.memory_space<vmem_shared>>
      %dma_start3A_255 = arith.constant 0 : i32
      %dma_start3A_256 = tpu.memref_slice %arg5[%add3A_62, %dma_start3A_255] : memref<10240x128xf32, #tpu.memory_space<vmem_shared>> -> memref<80x128xf32, #tpu.memory_space<vmem_shared>>
      tpu.enqueue_dma source(%arg8 : memref<80x128xf32, #tpu.memory_space<vmem>>) target(%dma_start3A_256 : memref<80x128xf32, #tpu.memory_space<vmem_shared>>) target_semaphore(%run_scoped3A : memref<!tpu.dma_semaphore, #tpu.memory_space<semaphore_mem>>)
      %dma_wait3A_257 = arith.constant 0 : i32
      %dma_wait3A_258 = tpu.memref_slice %arg5[%add3A_62, %dma_wait3A_257] : memref<10240x128xf32, #tpu.memory_space<vmem_shared>> -> memref<80x128xf32, #tpu.memory_space<vmem_shared>>
      %dma_wait3A_259 = arith.constant 0 : i32
      %dma_wait3A_260 = tpu.memref_slice %arg5[%add3A_62, %dma_wait3A_259] : memref<10240x128xf32, #tpu.memory_space<vmem_shared>> -> memref<80x128xf32, #tpu.memory_space<vmem_shared>>
      tpu.wait_dma2 semaphore(%run_scoped3A : memref<!tpu.dma_semaphore, #tpu.memory_space<semaphore_mem>>) src(%arg8 : memref<80x128xf32, #tpu.memory_space<vmem>>) dst(%dma_wait3A_260 : memref<80x128xf32, #tpu.memory_space<vmem_shared>>)
      tpu.yield
    }) : () -> ()
    %mul3A_63 = arith.constant 640 : i32
    %mul3A_64 = arith.muli %arg1, %mul3A_63 : i32
    %add3A_65 = arith.constant 560 : i32
    %add3A_66 = arith.addi %mul3A_64, %add3A_65 : i32
    "tpu.region"() ({
      %run_scoped3A = tpu.sem_alloc : memref<!tpu.dma_semaphore, #tpu.memory_space<semaphore_mem>>
      %dma_start3A_253 = arith.constant 0 : i32
      %dma_start3A_254 = tpu.memref_slice %arg5[%add3A_66, %dma_start3A_253] : memref<10240x128xf32, #tpu.memory_space<vmem_shared>> -> memref<80x128xf32, #tpu.memory_space<vmem_shared>>
      %dma_start3A_255 = arith.constant 0 : i32
      %dma_start3A_256 = tpu.memref_slice %arg5[%add3A_66, %dma_start3A_255] : memref<10240x128xf32, #tpu.memory_space<vmem_shared>> -> memref<80x128xf32, #tpu.memory_space<vmem_shared>>
      tpu.enqueue_dma source(%arg8 : memref<80x128xf32, #tpu.memory_space<vmem>>) target(%dma_start3A_256 : memref<80x128xf32, #tpu.memory_space<vmem_shared>>) target_semaphore(%run_scoped3A : memref<!tpu.dma_semaphore, #tpu.memory_space<semaphore_mem>>)
      %dma_wait3A_257 = arith.constant 0 : i32
      %dma_wait3A_258 = tpu.memref_slice %arg5[%add3A_66, %dma_wait3A_257] : memref<10240x128xf32, #tpu.memory_space<vmem_shared>> -> memref<80x128xf32, #tpu.memory_space<vmem_shared>>
      %dma_wait3A_259 = arith.constant 0 : i32
      %dma_wait3A_260 = tpu.memref_slice %arg5[%add3A_66, %dma_wait3A_259] : memref<10240x128xf32, #tpu.memory_space<vmem_shared>> -> memref<80x128xf32, #tpu.memory_space<vmem_shared>>
      tpu.wait_dma2 semaphore(%run_scoped3A : memref<!tpu.dma_semaphore, #tpu.memory_space<semaphore_mem>>) src(%arg8 : memref<80x128xf32, #tpu.memory_space<vmem>>) dst(%dma_wait3A_260 : memref<80x128xf32, #tpu.memory_space<vmem_shared>>)
      tpu.yield
    }) : () -> ()
    %barrier3A = arith.constant 0 : index
    tpu.barrier barrier_id(%barrier3A)
    %dma_start3A_67 = arith.constant 0 : i32
    %dma_start3A_68 = arith.constant 0 : i32
    %dma_start3A_69 = tpu.memref_slice %arg8[%dma_start3A_67, %dma_start3A_68] : memref<80x128xf32, #tpu.memory_space<vmem>> -> memref<80x128xf32, #tpu.memory_space<vmem>>
    %dma_start3A_70 = arith.constant 0 : i32
    %dma_start3A_71 = tpu.memref_slice %arg6[%dma_start3A_70] : memref<10000xi32, #tpu.memory_space<vmem>> -> memref<80xi32, #tpu.memory_space<vmem>>
    %dma_start3A_72 = arith.constant 0 : i32
    %dma_start3A_73 = arith.constant 0 : i32
    %dma_start3A_74 = tpu.memref_slice %arg2[%dma_start3A_72, %dma_start3A_73] : memref<10000x128xf32, #tpu.memory_space<hbm>> -> memref<10000x128xf32, #tpu.memory_space<hbm>>
    tpu.enqueue_indirect_dma source(%dma_start3A_74 : memref<10000x128xf32, #tpu.memory_space<hbm>>) target(%dma_start3A_69 : memref<80x128xf32, #tpu.memory_space<vmem>>) offsets(%dma_start3A_71 : memref<80xi32, #tpu.memory_space<vmem>>) semaphore(%arg12 : memref<!tpu.dma_semaphore, #tpu.memory_space<semaphore_mem>>)
    %scan3A_75 = arith.constant 0 : i32
    %scan3A_76 = arith.constant 0 : i32
    %scan3A_77 = arith.constant 44 : i32
    %scan3A_78 = arith.addi %scan3A_76, %scan3A_77 : i32
    %scan3A_79 = arith.constant 1 : i32
    %scan3A_80 = scf.for %scan3A_253 = %scan3A_76 to %scan3A_78 step %scan3A_79 iter_args(%scan3A_254 = %scan3A_75) -> (i32)  : i32 {
      %mul3A_255 = arith.constant 224 : i32
      %mul3A_256 = arith.muli %scan3A_253, %mul3A_255 : i32
      %dma_wait3A_257 = arith.constant 0 : i32
      %dma_wait3A_258 = arith.constant 0 : i32
      %dma_wait3A_259 = tpu.memref_slice %arg8[%dma_wait3A_257, %dma_wait3A_258] : memref<80x128xf32, #tpu.memory_space<vmem>> -> memref<80x128xf32, #tpu.memory_space<vmem>>
      %dma_wait3A_260 = tpu.memref_slice %arg6[%mul3A_256] : memref<10000xi32, #tpu.memory_space<vmem>> -> memref<80xi32, #tpu.memory_space<vmem>>
      %dma_wait3A_261 = arith.constant 0 : i32
      %dma_wait3A_262 = arith.constant 0 : i32
      %dma_wait3A_263 = tpu.memref_slice %arg2[%dma_wait3A_261, %dma_wait3A_262] : memref<10000x128xf32, #tpu.memory_space<hbm>> -> memref<10000x128xf32, #tpu.memory_space<hbm>>
      tpu.wait_indirect_dma semaphore(%arg12 : memref<!tpu.dma_semaphore, #tpu.memory_space<semaphore_mem>>) src(%dma_wait3A_263 : memref<10000x128xf32, #tpu.memory_space<hbm>>) dst(%dma_wait3A_259 : memref<80x128xf32, #tpu.memory_space<vmem>>)
      %add3A_264 = arith.constant 0 : i32
      %add3A_265 = arith.addi %mul3A_256, %add3A_264 : i32
      %get3A_266 = arith.index_cast %add3A_265 : i32 to index
      %get3A_267 = tpu.vector_load %arg7[%get3A_266] {strides = array<i32>} : memref<10000xi32, #tpu.memory_space<vmem>>, vector<16xi32>,
      %get3A_268 = vector.shape_cast %get3A_267 : vector<16xi32> to vector<16xi32>
      %dma_start3A_269 = arith.constant 0 : i32
      %dma_start3A_270 = arith.constant 0 : i32
      %dma_start3A_271 = tpu.memref_slice %arg8[%dma_start3A_269, %dma_start3A_270] : memref<80x128xf32, #tpu.memory_space<vmem>> -> memref<16x128xf32, #tpu.memory_space<vmem>>
      %dma_start3A_272 = arith.constant 0 : i32
      %dma_start3A_273 = arith.constant 0 : i32
      %dma_start3A_274 = tpu.memref_slice %arg5[%dma_start3A_272, %dma_start3A_273] : memref<10240x128xf32, #tpu.memory_space<vmem_shared>> -> memref<10240x128xf32, #tpu.memory_space<vmem_shared>>
      tpu.enqueue_indirect_dma source(%dma_start3A_271 : memref<16x128xf32, #tpu.memory_space<vmem>>) target(%dma_start3A_274 : memref<10240x128xf32, #tpu.memory_space<vmem_shared>>) offsets(%get3A_268 : vector<16xi32>) semaphore(%arg15 : memref<!tpu.dma_semaphore, #tpu.memory_space<semaphore_mem>>) {add = true}
      %add3A_275 = arith.constant 16 : i32
      %add3A_276 = arith.addi %mul3A_256, %add3A_275 : i32
      %get3A_277 = arith.index_cast %add3A_276 : i32 to index
      %get3A_278 = tpu.vector_load %arg7[%get3A_277] {strides = array<i32>} : memref<10000xi32, #tpu.memory_space<vmem>>, vector<16xi32>,
      %get3A_279 = vector.shape_cast %get3A_278 : vector<16xi32> to vector<16xi32>
      %dma_start3A_280 = arith.constant 16 : i32
      %dma_start3A_281 = arith.constant 0 : i32
      %dma_start3A_282 = tpu.memref_slice %arg8[%dma_start3A_280, %dma_start3A_281] : memref<80x128xf32, #tpu.memory_space<vmem>> -> memref<16x128xf32, #tpu.memory_space<vmem>>
      %dma_start3A_283 = arith.constant 0 : i32
      %dma_start3A_284 = arith.constant 0 : i32
      %dma_start3A_285 = tpu.memref_slice %arg5[%dma_start3A_283, %dma_start3A_284] : memref<10240x128xf32, #tpu.memory_space<vmem_shared>> -> memref<10240x128xf32, #tpu.memory_space<vmem_shared>>
      tpu.enqueue_indirect_dma source(%dma_start3A_282 : memref<16x128xf32, #tpu.memory_space<vmem>>) target(%dma_start3A_285 : memref<10240x128xf32, #tpu.memory_space<vmem_shared>>) offsets(%get3A_279 : vector<16xi32>) semaphore(%arg15 : memref<!tpu.dma_semaphore, #tpu.memory_space<semaphore_mem>>) {add = true}
      %add3A_286 = arith.constant 32 : i32
      %add3A_287 = arith.addi %mul3A_256, %add3A_286 : i32
      %get3A_288 = arith.index_cast %add3A_287 : i32 to index
      %get3A_289 = tpu.vector_load %arg7[%get3A_288] {strides = array<i32>} : memref<10000xi32, #tpu.memory_space<vmem>>, vector<16xi32>,
      %get3A_290 = vector.shape_cast %get3A_289 : vector<16xi32> to vector<16xi32>
      %dma_start3A_291 = arith.constant 32 : i32
      %dma_start3A_292 = arith.constant 0 : i32
      %dma_start3A_293 = tpu.memref_slice %arg8[%dma_start3A_291, %dma_start3A_292] : memref<80x128xf32, #tpu.memory_space<vmem>> -> memref<16x128xf32, #tpu.memory_space<vmem>>
      %dma_start3A_294 = arith.constant 0 : i32
      %dma_start3A_295 = arith.constant 0 : i32
      %dma_start3A_296 = tpu.memref_slice %arg5[%dma_start3A_294, %dma_start3A_295] : memref<10240x128xf32, #tpu.memory_space<vmem_shared>> -> memref<10240x128xf32, #tpu.memory_space<vmem_shared>>
      tpu.enqueue_indirect_dma source(%dma_start3A_293 : memref<16x128xf32, #tpu.memory_space<vmem>>) target(%dma_start3A_296 : memref<10240x128xf32, #tpu.memory_space<vmem_shared>>) offsets(%get3A_290 : vector<16xi32>) semaphore(%arg15 : memref<!tpu.dma_semaphore, #tpu.memory_space<semaphore_mem>>) {add = true}
      %add3A_297 = arith.constant 48 : i32
      %add3A_298 = arith.addi %mul3A_256, %add3A_297 : i32
      %get3A_299 = arith.index_cast %add3A_298 : i32 to index
      %get3A_300 = tpu.vector_load %arg7[%get3A_299] {strides = array<i32>} : memref<10000xi32, #tpu.memory_space<vmem>>, vector<16xi32>,
      %get3A_301 = vector.shape_cast %get3A_300 : vector<16xi32> to vector<16xi32>
      %dma_start3A_302 = arith.constant 48 : i32
      %dma_start3A_303 = arith.constant 0 : i32
      %dma_start3A_304 = tpu.memref_slice %arg8[%dma_start3A_302, %dma_start3A_303] : memref<80x128xf32, #tpu.memory_space<vmem>> -> memref<16x128xf32, #tpu.memory_space<vmem>>
      %dma_start3A_305 = arith.constant 0 : i32
      %dma_start3A_306 = arith.constant 0 : i32
      %dma_start3A_307 = tpu.memref_slice %arg5[%dma_start3A_305, %dma_start3A_306] : memref<10240x128xf32, #tpu.memory_space<vmem_shared>> -> memref<10240x128xf32, #tpu.memory_space<vmem_shared>>
      tpu.enqueue_indirect_dma source(%dma_start3A_304 : memref<16x128xf32, #tpu.memory_space<vmem>>) target(%dma_start3A_307 : memref<10240x128xf32, #tpu.memory_space<vmem_shared>>) offsets(%get3A_301 : vector<16xi32>) semaphore(%arg15 : memref<!tpu.dma_semaphore, #tpu.memory_space<semaphore_mem>>) {add = true}
      %add3A_308 = arith.constant 64 : i32
      %add3A_309 = arith.addi %mul3A_256, %add3A_308 : i32
      %get3A_310 = arith.index_cast %add3A_309 : i32 to index
      %get3A_311 = tpu.vector_load %arg7[%get3A_310] {strides = array<i32>} : memref<10000xi32, #tpu.memory_space<vmem>>, vector<16xi32>,
      %get3A_312 = vector.shape_cast %get3A_311 : vector<16xi32> to vector<16xi32>
      %dma_start3A_313 = arith.constant 64 : i32
      %dma_start3A_314 = arith.constant 0 : i32
      %dma_start3A_315 = tpu.memref_slice %arg8[%dma_start3A_313, %dma_start3A_314] : memref<80x128xf32, #tpu.memory_space<vmem>> -> memref<16x128xf32, #tpu.memory_space<vmem>>
      %dma_start3A_316 = arith.constant 0 : i32
      %dma_start3A_317 = arith.constant 0 : i32
      %dma_start3A_318 = tpu.memref_slice %arg5[%dma_start3A_316, %dma_start3A_317] : memref<10240x128xf32, #tpu.memory_space<vmem_shared>> -> memref<10240x128xf32, #tpu.memory_space<vmem_shared>>
      tpu.enqueue_indirect_dma source(%dma_start3A_315 : memref<16x128xf32, #tpu.memory_space<vmem>>) target(%dma_start3A_318 : memref<10240x128xf32, #tpu.memory_space<vmem_shared>>) offsets(%get3A_312 : vector<16xi32>) semaphore(%arg15 : memref<!tpu.dma_semaphore, #tpu.memory_space<semaphore_mem>>) {add = true}
      %dma_wait3A_319 = arith.constant 0 : i32
      %dma_wait3A_320 = arith.constant 0 : i32
      %dma_wait3A_321 = tpu.memref_slice %arg8[%dma_wait3A_319, %dma_wait3A_320] : memref<80x128xf32, #tpu.memory_space<vmem>> -> memref<16x128xf32, #tpu.memory_space<vmem>>
      %dma_wait3A_322 = arith.constant 0 : i32
      %dma_wait3A_323 = arith.constant 0 : i32
      %dma_wait3A_324 = tpu.memref_slice %arg5[%dma_wait3A_322, %dma_wait3A_323] : memref<10240x128xf32, #tpu.memory_space<vmem_shared>> -> memref<10240x128xf32, #tpu.memory_space<vmem_shared>>
      tpu.wait_indirect_dma semaphore(%arg15 : memref<!tpu.dma_semaphore, #tpu.memory_space<semaphore_mem>>) src(%dma_wait3A_321 : memref<16x128xf32, #tpu.memory_space<vmem>>) dst(%dma_wait3A_324 : memref<10240x128xf32, #tpu.memory_space<vmem_shared>>)
      %dma_wait3A_325 = arith.constant 16 : i32
      %dma_wait3A_326 = arith.constant 0 : i32
      %dma_wait3A_327 = tpu.memref_slice %arg8[%dma_wait3A_325, %dma_wait3A_326] : memref<80x128xf32, #tpu.memory_space<vmem>> -> memref<16x128xf32, #tpu.memory_space<vmem>>
      %dma_wait3A_328 = arith.constant 0 : i32
      %dma_wait3A_329 = arith.constant 0 : i32
      %dma_wait3A_330 = tpu.memref_slice %arg5[%dma_wait3A_328, %dma_wait3A_329] : memref<10240x128xf32, #tpu.memory_space<vmem_shared>> -> memref<10240x128xf32, #tpu.memory_space<vmem_shared>>
      tpu.wait_indirect_dma semaphore(%arg15 : memref<!tpu.dma_semaphore, #tpu.memory_space<semaphore_mem>>) src(%dma_wait3A_327 : memref<16x128xf32, #tpu.memory_space<vmem>>) dst(%dma_wait3A_330 : memref<10240x128xf32, #tpu.memory_space<vmem_shared>>)
      %dma_wait3A_331 = arith.constant 32 : i32
      %dma_wait3A_332 = arith.constant 0 : i32
      %dma_wait3A_333 = tpu.memref_slice %arg8[%dma_wait3A_331, %dma_wait3A_332] : memref<80x128xf32, #tpu.memory_space<vmem>> -> memref<16x128xf32, #tpu.memory_space<vmem>>
      %dma_wait3A_334 = arith.constant 0 : i32
      %dma_wait3A_335 = arith.constant 0 : i32
      %dma_wait3A_336 = tpu.memref_slice %arg5[%dma_wait3A_334, %dma_wait3A_335] : memref<10240x128xf32, #tpu.memory_space<vmem_shared>> -> memref<10240x128xf32, #tpu.memory_space<vmem_shared>>
      tpu.wait_indirect_dma semaphore(%arg15 : memref<!tpu.dma_semaphore, #tpu.memory_space<semaphore_mem>>) src(%dma_wait3A_333 : memref<16x128xf32, #tpu.memory_space<vmem>>) dst(%dma_wait3A_336 : memref<10240x128xf32, #tpu.memory_space<vmem_shared>>)
      %dma_wait3A_337 = arith.constant 48 : i32
      %dma_wait3A_338 = arith.constant 0 : i32
      %dma_wait3A_339 = tpu.memref_slice %arg8[%dma_wait3A_337, %dma_wait3A_338] : memref<80x128xf32, #tpu.memory_space<vmem>> -> memref<16x128xf32, #tpu.memory_space<vmem>>
      %dma_wait3A_340 = arith.constant 0 : i32
      %dma_wait3A_341 = arith.constant 0 : i32
      %dma_wait3A_342 = tpu.memref_slice %arg5[%dma_wait3A_340, %dma_wait3A_341] : memref<10240x128xf32, #tpu.memory_space<vmem_shared>> -> memref<10240x128xf32, #tpu.memory_space<vmem_shared>>
      tpu.wait_indirect_dma semaphore(%arg15 : memref<!tpu.dma_semaphore, #tpu.memory_space<semaphore_mem>>) src(%dma_wait3A_339 : memref<16x128xf32, #tpu.memory_space<vmem>>) dst(%dma_wait3A_342 : memref<10240x128xf32, #tpu.memory_space<vmem_shared>>)
      %dma_wait3A_343 = arith.constant 64 : i32
      %dma_wait3A_344 = arith.constant 0 : i32
      %dma_wait3A_345 = tpu.memref_slice %arg8[%dma_wait3A_343, %dma_wait3A_344] : memref<80x128xf32, #tpu.memory_space<vmem>> -> memref<16x128xf32, #tpu.memory_space<vmem>>
      %dma_wait3A_346 = arith.constant 0 : i32
      %dma_wait3A_347 = arith.constant 0 : i32
      %dma_wait3A_348 = tpu.memref_slice %arg5[%dma_wait3A_346, %dma_wait3A_347] : memref<10240x128xf32, #tpu.memory_space<vmem_shared>> -> memref<10240x128xf32, #tpu.memory_space<vmem_shared>>
      tpu.wait_indirect_dma semaphore(%arg15 : memref<!tpu.dma_semaphore, #tpu.memory_space<semaphore_mem>>) src(%dma_wait3A_345 : memref<16x128xf32, #tpu.memory_space<vmem>>) dst(%dma_wait3A_348 : memref<10240x128xf32, #tpu.memory_space<vmem_shared>>)
      %add3A_349 = arith.constant 224 : i32
      %add3A_350 = arith.addi %mul3A_256, %add3A_349 : i32
      %dma_start3A_351 = arith.constant 0 : i32
      %dma_start3A_352 = arith.constant 0 : i32
      %dma_start3A_353 = tpu.memref_slice %arg8[%dma_start3A_351, %dma_start3A_352] : memref<80x128xf32, #tpu.memory_space<vmem>> -> memref<80x128xf32, #tpu.memory_space<vmem>>
      %dma_start3A_354 = tpu.memref_slice %arg6[%add3A_350] : memref<10000xi32, #tpu.memory_space<vmem>> -> memref<80xi32, #tpu.memory_space<vmem>>
      %dma_start3A_355 = arith.constant 0 : i32
      %dma_start3A_356 = arith.constant 0 : i32
      %dma_start3A_357 = tpu.memref_slice %arg2[%dma_start3A_355, %dma_start3A_356] : memref<10000x128xf32, #tpu.memory_space<hbm>> -> memref<10000x128xf32, #tpu.memory_space<hbm>>
      tpu.enqueue_indirect_dma source(%dma_start3A_357 : memref<10000x128xf32, #tpu.memory_space<hbm>>) target(%dma_start3A_353 : memref<80x128xf32, #tpu.memory_space<vmem>>) offsets(%dma_start3A_354 : memref<80xi32, #tpu.memory_space<vmem>>) semaphore(%arg12 : memref<!tpu.dma_semaphore, #tpu.memory_space<semaphore_mem>>)
      %add3A_358 = arith.constant 80 : i32
      %add3A_359 = arith.addi %mul3A_256, %add3A_358 : i32
      %dma_wait3A_360 = arith.constant 0 : i32
      %dma_wait3A_361 = arith.constant 0 : i32
      %dma_wait3A_362 = tpu.memref_slice %arg9[%dma_wait3A_360, %dma_wait3A_361] : memref<80x128xf32, #tpu.memory_space<vmem>> -> memref<80x128xf32, #tpu.memory_space<vmem>>
      %dma_wait3A_363 = tpu.memref_slice %arg6[%add3A_359] : memref<10000xi32, #tpu.memory_space<vmem>> -> memref<80xi32, #tpu.memory_space<vmem>>
      %dma_wait3A_364 = arith.constant 0 : i32
      %dma_wait3A_365 = arith.constant 0 : i32
      %dma_wait3A_366 = tpu.memref_slice %arg2[%dma_wait3A_364, %dma_wait3A_365] : memref<10000x128xf32, #tpu.memory_space<hbm>> -> memref<10000x128xf32, #tpu.memory_space<hbm>>
      tpu.wait_indirect_dma semaphore(%arg13 : memref<!tpu.dma_semaphore, #tpu.memory_space<semaphore_mem>>) src(%dma_wait3A_366 : memref<10000x128xf32, #tpu.memory_space<hbm>>) dst(%dma_wait3A_362 : memref<80x128xf32, #tpu.memory_space<vmem>>)
      %add3A_367 = arith.constant 80 : i32
      %add3A_368 = arith.addi %mul3A_256, %add3A_367 : i32
      %add3A_369 = arith.constant 0 : i32
      %add3A_370 = arith.addi %add3A_368, %add3A_369 : i32
      %get3A_371 = arith.index_cast %add3A_370 : i32 to index
      %get3A_372 = tpu.vector_load %arg7[%get3A_371] {strides = array<i32>} : memref<10000xi32, #tpu.memory_space<vmem>>, vector<16xi32>,
      %get3A_373 = vector.shape_cast %get3A_372 : vector<16xi32> to vector<16xi32>
      %dma_start3A_374 = arith.constant 0 : i32
      %dma_start3A_375 = arith.constant 0 : i32
      %dma_start3A_376 = tpu.memref_slice %arg9[%dma_start3A_374, %dma_start3A_375] : memref<80x128xf32, #tpu.memory_space<vmem>> -> memref<16x128xf32, #tpu.memory_space<vmem>>
      %dma_start3A_377 = arith.constant 0 : i32
      %dma_start3A_378 = arith.constant 0 : i32
      %dma_start3A_379 = tpu.memref_slice %arg5[%dma_start3A_377, %dma_start3A_378] : memref<10240x128xf32, #tpu.memory_space<vmem_shared>> -> memref<10240x128xf32, #tpu.memory_space<vmem_shared>>
      tpu.enqueue_indirect_dma source(%dma_start3A_376 : memref<16x128xf32, #tpu.memory_space<vmem>>) target(%dma_start3A_379 : memref<10240x128xf32, #tpu.memory_space<vmem_shared>>) offsets(%get3A_373 : vector<16xi32>) semaphore(%arg16 : memref<!tpu.dma_semaphore, #tpu.memory_space<semaphore_mem>>) {add = true}
      %add3A_380 = arith.constant 16 : i32
      %add3A_381 = arith.addi %add3A_368, %add3A_380 : i32
      %get3A_382 = arith.index_cast %add3A_381 : i32 to index
      %get3A_383 = tpu.vector_load %arg7[%get3A_382] {strides = array<i32>} : memref<10000xi32, #tpu.memory_space<vmem>>, vector<16xi32>,
      %get3A_384 = vector.shape_cast %get3A_383 : vector<16xi32> to vector<16xi32>
      %dma_start3A_385 = arith.constant 16 : i32
      %dma_start3A_386 = arith.constant 0 : i32
      %dma_start3A_387 = tpu.memref_slice %arg9[%dma_start3A_385, %dma_start3A_386] : memref<80x128xf32, #tpu.memory_space<vmem>> -> memref<16x128xf32, #tpu.memory_space<vmem>>
      %dma_start3A_388 = arith.constant 0 : i32
      %dma_start3A_389 = arith.constant 0 : i32
      %dma_start3A_390 = tpu.memref_slice %arg5[%dma_start3A_388, %dma_start3A_389] : memref<10240x128xf32, #tpu.memory_space<vmem_shared>> -> memref<10240x128xf32, #tpu.memory_space<vmem_shared>>
      tpu.enqueue_indirect_dma source(%dma_start3A_387 : memref<16x128xf32, #tpu.memory_space<vmem>>) target(%dma_start3A_390 : memref<10240x128xf32, #tpu.memory_space<vmem_shared>>) offsets(%get3A_384 : vector<16xi32>) semaphore(%arg16 : memref<!tpu.dma_semaphore, #tpu.memory_space<semaphore_mem>>) {add = true}
      %add3A_391 = arith.constant 32 : i32
      %add3A_392 = arith.addi %add3A_368, %add3A_391 : i32
      %get3A_393 = arith.index_cast %add3A_392 : i32 to index
      %get3A_394 = tpu.vector_load %arg7[%get3A_393] {strides = array<i32>} : memref<10000xi32, #tpu.memory_space<vmem>>, vector<16xi32>,
      %get3A_395 = vector.shape_cast %get3A_394 : vector<16xi32> to vector<16xi32>
      %dma_start3A_396 = arith.constant 32 : i32
      %dma_start3A_397 = arith.constant 0 : i32
      %dma_start3A_398 = tpu.memref_slice %arg9[%dma_start3A_396, %dma_start3A_397] : memref<80x128xf32, #tpu.memory_space<vmem>> -> memref<16x128xf32, #tpu.memory_space<vmem>>
      %dma_start3A_399 = arith.constant 0 : i32
      %dma_start3A_400 = arith.constant 0 : i32
      %dma_start3A_401 = tpu.memref_slice %arg5[%dma_start3A_399, %dma_start3A_400] : memref<10240x128xf32, #tpu.memory_space<vmem_shared>> -> memref<10240x128xf32, #tpu.memory_space<vmem_shared>>
      tpu.enqueue_indirect_dma source(%dma_start3A_398 : memref<16x128xf32, #tpu.memory_space<vmem>>) target(%dma_start3A_401 : memref<10240x128xf32, #tpu.memory_space<vmem_shared>>) offsets(%get3A_395 : vector<16xi32>) semaphore(%arg16 : memref<!tpu.dma_semaphore, #tpu.memory_space<semaphore_mem>>) {add = true}
      %add3A_402 = arith.constant 48 : i32
      %add3A_403 = arith.addi %add3A_368, %add3A_402 : i32
      %get3A_404 = arith.index_cast %add3A_403 : i32 to index
      %get3A_405 = tpu.vector_load %arg7[%get3A_404] {strides = array<i32>} : memref<10000xi32, #tpu.memory_space<vmem>>, vector<16xi32>,
      %get3A_406 = vector.shape_cast %get3A_405 : vector<16xi32> to vector<16xi32>
      %dma_start3A_407 = arith.constant 48 : i32
      %dma_start3A_408 = arith.constant 0 : i32
      %dma_start3A_409 = tpu.memref_slice %arg9[%dma_start3A_407, %dma_start3A_408] : memref<80x128xf32, #tpu.memory_space<vmem>> -> memref<16x128xf32, #tpu.memory_space<vmem>>
      %dma_start3A_410 = arith.constant 0 : i32
      %dma_start3A_411 = arith.constant 0 : i32
      %dma_start3A_412 = tpu.memref_slice %arg5[%dma_start3A_410, %dma_start3A_411] : memref<10240x128xf32, #tpu.memory_space<vmem_shared>> -> memref<10240x128xf32, #tpu.memory_space<vmem_shared>>
      tpu.enqueue_indirect_dma source(%dma_start3A_409 : memref<16x128xf32, #tpu.memory_space<vmem>>) target(%dma_start3A_412 : memref<10240x128xf32, #tpu.memory_space<vmem_shared>>) offsets(%get3A_406 : vector<16xi32>) semaphore(%arg16 : memref<!tpu.dma_semaphore, #tpu.memory_space<semaphore_mem>>) {add = true}
      %add3A_413 = arith.constant 64 : i32
      %add3A_414 = arith.addi %add3A_368, %add3A_413 : i32
      %get3A_415 = arith.index_cast %add3A_414 : i32 to index
      %get3A_416 = tpu.vector_load %arg7[%get3A_415] {strides = array<i32>} : memref<10000xi32, #tpu.memory_space<vmem>>, vector<16xi32>,
      %get3A_417 = vector.shape_cast %get3A_416 : vector<16xi32> to vector<16xi32>
      %dma_start3A_418 = arith.constant 64 : i32
      %dma_start3A_419 = arith.constant 0 : i32
      %dma_start3A_420 = tpu.memref_slice %arg9[%dma_start3A_418, %dma_start3A_419] : memref<80x128xf32, #tpu.memory_space<vmem>> -> memref<16x128xf32, #tpu.memory_space<vmem>>
      %dma_start3A_421 = arith.constant 0 : i32
      %dma_start3A_422 = arith.constant 0 : i32
      %dma_start3A_423 = tpu.memref_slice %arg5[%dma_start3A_421, %dma_start3A_422] : memref<10240x128xf32, #tpu.memory_space<vmem_shared>> -> memref<10240x128xf32, #tpu.memory_space<vmem_shared>>
      tpu.enqueue_indirect_dma source(%dma_start3A_420 : memref<16x128xf32, #tpu.memory_space<vmem>>) target(%dma_start3A_423 : memref<10240x128xf32, #tpu.memory_space<vmem_shared>>) offsets(%get3A_417 : vector<16xi32>) semaphore(%arg16 : memref<!tpu.dma_semaphore, #tpu.memory_space<semaphore_mem>>) {add = true}
      %dma_wait3A_424 = arith.constant 0 : i32
      %dma_wait3A_425 = arith.constant 0 : i32
      %dma_wait3A_426 = tpu.memref_slice %arg9[%dma_wait3A_424, %dma_wait3A_425] : memref<80x128xf32, #tpu.memory_space<vmem>> -> memref<16x128xf32, #tpu.memory_space<vmem>>
      %dma_wait3A_427 = arith.constant 0 : i32
      %dma_wait3A_428 = arith.constant 0 : i32
      %dma_wait3A_429 = tpu.memref_slice %arg5[%dma_wait3A_427, %dma_wait3A_428] : memref<10240x128xf32, #tpu.memory_space<vmem_shared>> -> memref<10240x128xf32, #tpu.memory_space<vmem_shared>>
      tpu.wait_indirect_dma semaphore(%arg16 : memref<!tpu.dma_semaphore, #tpu.memory_space<semaphore_mem>>) src(%dma_wait3A_426 : memref<16x128xf32, #tpu.memory_space<vmem>>) dst(%dma_wait3A_429 : memref<10240x128xf32, #tpu.memory_space<vmem_shared>>)
      %dma_wait3A_430 = arith.constant 16 : i32
      %dma_wait3A_431 = arith.constant 0 : i32
      %dma_wait3A_432 = tpu.memref_slice %arg9[%dma_wait3A_430, %dma_wait3A_431] : memref<80x128xf32, #tpu.memory_space<vmem>> -> memref<16x128xf32, #tpu.memory_space<vmem>>
      %dma_wait3A_433 = arith.constant 0 : i32
      %dma_wait3A_434 = arith.constant 0 : i32
      %dma_wait3A_435 = tpu.memref_slice %arg5[%dma_wait3A_433, %dma_wait3A_434] : memref<10240x128xf32, #tpu.memory_space<vmem_shared>> -> memref<10240x128xf32, #tpu.memory_space<vmem_shared>>
      tpu.wait_indirect_dma semaphore(%arg16 : memref<!tpu.dma_semaphore, #tpu.memory_space<semaphore_mem>>) src(%dma_wait3A_432 : memref<16x128xf32, #tpu.memory_space<vmem>>) dst(%dma_wait3A_435 : memref<10240x128xf32, #tpu.memory_space<vmem_shared>>)
      %dma_wait3A_436 = arith.constant 32 : i32
      %dma_wait3A_437 = arith.constant 0 : i32
      %dma_wait3A_438 = tpu.memref_slice %arg9[%dma_wait3A_436, %dma_wait3A_437] : memref<80x128xf32, #tpu.memory_space<vmem>> -> memref<16x128xf32, #tpu.memory_space<vmem>>
      %dma_wait3A_439 = arith.constant 0 : i32
      %dma_wait3A_440 = arith.constant 0 : i32
      %dma_wait3A_441 = tpu.memref_slice %arg5[%dma_wait3A_439, %dma_wait3A_440] : memref<10240x128xf32, #tpu.memory_space<vmem_shared>> -> memref<10240x128xf32, #tpu.memory_space<vmem_shared>>
      tpu.wait_indirect_dma semaphore(%arg16 : memref<!tpu.dma_semaphore, #tpu.memory_space<semaphore_mem>>) src(%dma_wait3A_438 : memref<16x128xf32, #tpu.memory_space<vmem>>) dst(%dma_wait3A_441 : memref<10240x128xf32, #tpu.memory_space<vmem_shared>>)
      %dma_wait3A_442 = arith.constant 48 : i32
      %dma_wait3A_443 = arith.constant 0 : i32
      %dma_wait3A_444 = tpu.memref_slice %arg9[%dma_wait3A_442, %dma_wait3A_443] : memref<80x128xf32, #tpu.memory_space<vmem>> -> memref<16x128xf32, #tpu.memory_space<vmem>>
      %dma_wait3A_445 = arith.constant 0 : i32
      %dma_wait3A_446 = arith.constant 0 : i32
      %dma_wait3A_447 = tpu.memref_slice %arg5[%dma_wait3A_445, %dma_wait3A_446] : memref<10240x128xf32, #tpu.memory_space<vmem_shared>> -> memref<10240x128xf32, #tpu.memory_space<vmem_shared>>
      tpu.wait_indirect_dma semaphore(%arg16 : memref<!tpu.dma_semaphore, #tpu.memory_space<semaphore_mem>>) src(%dma_wait3A_444 : memref<16x128xf32, #tpu.memory_space<vmem>>) dst(%dma_wait3A_447 : memref<10240x128xf32, #tpu.memory_space<vmem_shared>>)
      %dma_wait3A_448 = arith.constant 64 : i32
      %dma_wait3A_449 = arith.constant 0 : i32
      %dma_wait3A_450 = tpu.memref_slice %arg9[%dma_wait3A_448, %dma_wait3A_449] : memref<80x128xf32, #tpu.memory_space<vmem>> -> memref<16x128xf32, #tpu.memory_space<vmem>>
      %dma_wait3A_451 = arith.constant 0 : i32
      %dma_wait3A_452 = arith.constant 0 : i32
      %dma_wait3A_453 = tpu.memref_slice %arg5[%dma_wait3A_451, %dma_wait3A_452] : memref<10240x128xf32, #tpu.memory_space<vmem_shared>> -> memref<10240x128xf32, #tpu.memory_space<vmem_shared>>
      tpu.wait_indirect_dma semaphore(%arg16 : memref<!tpu.dma_semaphore, #tpu.memory_space<semaphore_mem>>) src(%dma_wait3A_450 : memref<16x128xf32, #tpu.memory_space<vmem>>) dst(%dma_wait3A_453 : memref<10240x128xf32, #tpu.memory_space<vmem_shared>>)
      %lt3A = arith.constant 43 : i32
      %lt3A_454 = arith.cmpi slt, %scan3A_253, %lt3A : i32
      %convert_element_type3A = arith.extui %lt3A_454 : i1 to i32
      %cond3A = arith.constant 0 : i32
      %cond3A_455 = arith.cmpi ne, %convert_element_type3A, %cond3A : i32
      scf.if %cond3A_455 {
        %add3A_545 = arith.constant 224 : i32
        %add3A_546 = arith.addi %mul3A_256, %add3A_545 : i32
        %add3A_547 = arith.constant 80 : i32
        %add3A_548 = arith.addi %add3A_546, %add3A_547 : i32
        %dma_start3A_549 = arith.constant 0 : i32
        %dma_start3A_550 = arith.constant 0 : i32
        %dma_start3A_551 = tpu.memref_slice %arg9[%dma_start3A_549, %dma_start3A_550] : memref<80x128xf32, #tpu.memory_space<vmem>> -> memref<80x128xf32, #tpu.memory_space<vmem>>
        %dma_start3A_552 = tpu.memref_slice %arg6[%add3A_548] : memref<10000xi32, #tpu.memory_space<vmem>> -> memref<80xi32, #tpu.memory_space<vmem>>
        %dma_start3A_553 = arith.constant 0 : i32
        %dma_start3A_554 = arith.constant 0 : i32
        %dma_start3A_555 = tpu.memref_slice %arg2[%dma_start3A_553, %dma_start3A_554] : memref<10000x128xf32, #tpu.memory_space<hbm>> -> memref<10000x128xf32, #tpu.memory_space<hbm>>
        tpu.enqueue_indirect_dma source(%dma_start3A_555 : memref<10000x128xf32, #tpu.memory_space<hbm>>) target(%dma_start3A_551 : memref<80x128xf32, #tpu.memory_space<vmem>>) offsets(%dma_start3A_552 : memref<80xi32, #tpu.memory_space<vmem>>) semaphore(%arg13 : memref<!tpu.dma_semaphore, #tpu.memory_space<semaphore_mem>>)
      } else {
      }
      %eq3A = arith.constant 43 : i32
      %eq3A_456 = arith.cmpi eq, %scan3A_253, %eq3A : i32
      %convert_element_type3A_457 = arith.extui %eq3A_456 : i1 to i32
      %cond3A_458 = arith.constant 0 : i32
      %cond3A_459 = arith.cmpi ne, %convert_element_type3A_457, %cond3A_458 : i32
      scf.if %cond3A_459 {
        %dma_start3A_545 = arith.constant 0 : i32
        %dma_start3A_546 = arith.constant 0 : i32
        %dma_start3A_547 = tpu.memref_slice %arg9[%dma_start3A_545, %dma_start3A_546] : memref<80x128xf32, #tpu.memory_space<vmem>> -> memref<64x128xf32, #tpu.memory_space<vmem>>
        %dma_start3A_548 = arith.constant 9936 : i32
        %dma_start3A_549 = tpu.memref_slice %arg6[%dma_start3A_548] : memref<10000xi32, #tpu.memory_space<vmem>> -> memref<64xi32, #tpu.memory_space<vmem>>
        %dma_start3A_550 = arith.constant 0 : i32
        %dma_start3A_551 = arith.constant 0 : i32
        %dma_start3A_552 = tpu.memref_slice %arg2[%dma_start3A_550, %dma_start3A_551] : memref<10000x128xf32, #tpu.memory_space<hbm>> -> memref<10000x128xf32, #tpu.memory_space<hbm>>
        tpu.enqueue_indirect_dma source(%dma_start3A_552 : memref<10000x128xf32, #tpu.memory_space<hbm>>) target(%dma_start3A_547 : memref<64x128xf32, #tpu.memory_space<vmem>>) offsets(%dma_start3A_549 : memref<64xi32, #tpu.memory_space<vmem>>) semaphore(%arg13 : memref<!tpu.dma_semaphore, #tpu.memory_space<semaphore_mem>>)
      } else {
      }
      %add3A_460 = arith.constant 160 : i32
      %add3A_461 = arith.addi %mul3A_256, %add3A_460 : i32
      %dma_wait3A_462 = arith.constant 0 : i32
      %dma_wait3A_463 = arith.constant 0 : i32
      %dma_wait3A_464 = tpu.memref_slice %arg10[%dma_wait3A_462, %dma_wait3A_463] : memref<64x128xf32, #tpu.memory_space<vmem>> -> memref<64x128xf32, #tpu.memory_space<vmem>>
      %dma_wait3A_465 = tpu.memref_slice %arg6[%add3A_461] : memref<10000xi32, #tpu.memory_space<vmem>> -> memref<64xi32, #tpu.memory_space<vmem>>
      %dma_wait3A_466 = arith.constant 0 : i32
      %dma_wait3A_467 = arith.constant 0 : i32
      %dma_wait3A_468 = tpu.memref_slice %arg2[%dma_wait3A_466, %dma_wait3A_467] : memref<10000x128xf32, #tpu.memory_space<hbm>> -> memref<10000x128xf32, #tpu.memory_space<hbm>>
      tpu.wait_indirect_dma semaphore(%arg14 : memref<!tpu.dma_semaphore, #tpu.memory_space<semaphore_mem>>) src(%dma_wait3A_468 : memref<10000x128xf32, #tpu.memory_space<hbm>>) dst(%dma_wait3A_464 : memref<64x128xf32, #tpu.memory_space<vmem>>)
      %add3A_469 = arith.constant 160 : i32
      %add3A_470 = arith.addi %mul3A_256, %add3A_469 : i32
      %add3A_471 = arith.constant 0 : i32
      %add3A_472 = arith.addi %add3A_470, %add3A_471 : i32
      %get3A_473 = arith.index_cast %add3A_472 : i32 to index
      %get3A_474 = tpu.vector_load %arg7[%get3A_473] {strides = array<i32>} : memref<10000xi32, #tpu.memory_space<vmem>>, vector<16xi32>,
      %get3A_475 = vector.shape_cast %get3A_474 : vector<16xi32> to vector<16xi32>
      %dma_start3A_476 = arith.constant 0 : i32
      %dma_start3A_477 = arith.constant 0 : i32
      %dma_start3A_478 = tpu.memref_slice %arg10[%dma_start3A_476, %dma_start3A_477] : memref<64x128xf32, #tpu.memory_space<vmem>> -> memref<16x128xf32, #tpu.memory_space<vmem>>
      %dma_start3A_479 = arith.constant 0 : i32
      %dma_start3A_480 = arith.constant 0 : i32
      %dma_start3A_481 = tpu.memref_slice %arg5[%dma_start3A_479, %dma_start3A_480] : memref<10240x128xf32, #tpu.memory_space<vmem_shared>> -> memref<10240x128xf32, #tpu.memory_space<vmem_shared>>
      tpu.enqueue_indirect_dma source(%dma_start3A_478 : memref<16x128xf32, #tpu.memory_space<vmem>>) target(%dma_start3A_481 : memref<10240x128xf32, #tpu.memory_space<vmem_shared>>) offsets(%get3A_475 : vector<16xi32>) semaphore(%arg17 : memref<!tpu.dma_semaphore, #tpu.memory_space<semaphore_mem>>) {add = true}
      %add3A_482 = arith.constant 16 : i32
      %add3A_483 = arith.addi %add3A_470, %add3A_482 : i32
      %get3A_484 = arith.index_cast %add3A_483 : i32 to index
      %get3A_485 = tpu.vector_load %arg7[%get3A_484] {strides = array<i32>} : memref<10000xi32, #tpu.memory_space<vmem>>, vector<16xi32>,
      %get3A_486 = vector.shape_cast %get3A_485 : vector<16xi32> to vector<16xi32>
      %dma_start3A_487 = arith.constant 16 : i32
      %dma_start3A_488 = arith.constant 0 : i32
      %dma_start3A_489 = tpu.memref_slice %arg10[%dma_start3A_487, %dma_start3A_488] : memref<64x128xf32, #tpu.memory_space<vmem>> -> memref<16x128xf32, #tpu.memory_space<vmem>>
      %dma_start3A_490 = arith.constant 0 : i32
      %dma_start3A_491 = arith.constant 0 : i32
      %dma_start3A_492 = tpu.memref_slice %arg5[%dma_start3A_490, %dma_start3A_491] : memref<10240x128xf32, #tpu.memory_space<vmem_shared>> -> memref<10240x128xf32, #tpu.memory_space<vmem_shared>>
      tpu.enqueue_indirect_dma source(%dma_start3A_489 : memref<16x128xf32, #tpu.memory_space<vmem>>) target(%dma_start3A_492 : memref<10240x128xf32, #tpu.memory_space<vmem_shared>>) offsets(%get3A_486 : vector<16xi32>) semaphore(%arg17 : memref<!tpu.dma_semaphore, #tpu.memory_space<semaphore_mem>>) {add = true}
      %add3A_493 = arith.constant 32 : i32
      %add3A_494 = arith.addi %add3A_470, %add3A_493 : i32
      %get3A_495 = arith.index_cast %add3A_494 : i32 to index
      %get3A_496 = tpu.vector_load %arg7[%get3A_495] {strides = array<i32>} : memref<10000xi32, #tpu.memory_space<vmem>>, vector<16xi32>,
      %get3A_497 = vector.shape_cast %get3A_496 : vector<16xi32> to vector<16xi32>
      %dma_start3A_498 = arith.constant 32 : i32
      %dma_start3A_499 = arith.constant 0 : i32
      %dma_start3A_500 = tpu.memref_slice %arg10[%dma_start3A_498, %dma_start3A_499] : memref<64x128xf32, #tpu.memory_space<vmem>> -> memref<16x128xf32, #tpu.memory_space<vmem>>
      %dma_start3A_501 = arith.constant 0 : i32
      %dma_start3A_502 = arith.constant 0 : i32
      %dma_start3A_503 = tpu.memref_slice %arg5[%dma_start3A_501, %dma_start3A_502] : memref<10240x128xf32, #tpu.memory_space<vmem_shared>> -> memref<10240x128xf32, #tpu.memory_space<vmem_shared>>
      tpu.enqueue_indirect_dma source(%dma_start3A_500 : memref<16x128xf32, #tpu.memory_space<vmem>>) target(%dma_start3A_503 : memref<10240x128xf32, #tpu.memory_space<vmem_shared>>) offsets(%get3A_497 : vector<16xi32>) semaphore(%arg17 : memref<!tpu.dma_semaphore, #tpu.memory_space<semaphore_mem>>) {add = true}
      %add3A_504 = arith.constant 48 : i32
      %add3A_505 = arith.addi %add3A_470, %add3A_504 : i32
      %get3A_506 = arith.index_cast %add3A_505 : i32 to index
      %get3A_507 = tpu.vector_load %arg7[%get3A_506] {strides = array<i32>} : memref<10000xi32, #tpu.memory_space<vmem>>, vector<16xi32>,
      %get3A_508 = vector.shape_cast %get3A_507 : vector<16xi32> to vector<16xi32>
      %dma_start3A_509 = arith.constant 48 : i32
      %dma_start3A_510 = arith.constant 0 : i32
      %dma_start3A_511 = tpu.memref_slice %arg10[%dma_start3A_509, %dma_start3A_510] : memref<64x128xf32, #tpu.memory_space<vmem>> -> memref<16x128xf32, #tpu.memory_space<vmem>>
      %dma_start3A_512 = arith.constant 0 : i32
      %dma_start3A_513 = arith.constant 0 : i32
      %dma_start3A_514 = tpu.memref_slice %arg5[%dma_start3A_512, %dma_start3A_513] : memref<10240x128xf32, #tpu.memory_space<vmem_shared>> -> memref<10240x128xf32, #tpu.memory_space<vmem_shared>>
      tpu.enqueue_indirect_dma source(%dma_start3A_511 : memref<16x128xf32, #tpu.memory_space<vmem>>) target(%dma_start3A_514 : memref<10240x128xf32, #tpu.memory_space<vmem_shared>>) offsets(%get3A_508 : vector<16xi32>) semaphore(%arg17 : memref<!tpu.dma_semaphore, #tpu.memory_space<semaphore_mem>>) {add = true}
      %dma_wait3A_515 = arith.constant 0 : i32
      %dma_wait3A_516 = arith.constant 0 : i32
      %dma_wait3A_517 = tpu.memref_slice %arg10[%dma_wait3A_515, %dma_wait3A_516] : memref<64x128xf32, #tpu.memory_space<vmem>> -> memref<16x128xf32, #tpu.memory_space<vmem>>
      %dma_wait3A_518 = arith.constant 0 : i32
      %dma_wait3A_519 = arith.constant 0 : i32
      %dma_wait3A_520 = tpu.memref_slice %arg5[%dma_wait3A_518, %dma_wait3A_519] : memref<10240x128xf32, #tpu.memory_space<vmem_shared>> -> memref<10240x128xf32, #tpu.memory_space<vmem_shared>>
      tpu.wait_indirect_dma semaphore(%arg17 : memref<!tpu.dma_semaphore, #tpu.memory_space<semaphore_mem>>) src(%dma_wait3A_517 : memref<16x128xf32, #tpu.memory_space<vmem>>) dst(%dma_wait3A_520 : memref<10240x128xf32, #tpu.memory_space<vmem_shared>>)
      %dma_wait3A_521 = arith.constant 16 : i32
      %dma_wait3A_522 = arith.constant 0 : i32
      %dma_wait3A_523 = tpu.memref_slice %arg10[%dma_wait3A_521, %dma_wait3A_522] : memref<64x128xf32, #tpu.memory_space<vmem>> -> memref<16x128xf32, #tpu.memory_space<vmem>>
      %dma_wait3A_524 = arith.constant 0 : i32
      %dma_wait3A_525 = arith.constant 0 : i32
      %dma_wait3A_526 = tpu.memref_slice %arg5[%dma_wait3A_524, %dma_wait3A_525] : memref<10240x128xf32, #tpu.memory_space<vmem_shared>> -> memref<10240x128xf32, #tpu.memory_space<vmem_shared>>
      tpu.wait_indirect_dma semaphore(%arg17 : memref<!tpu.dma_semaphore, #tpu.memory_space<semaphore_mem>>) src(%dma_wait3A_523 : memref<16x128xf32, #tpu.memory_space<vmem>>) dst(%dma_wait3A_526 : memref<10240x128xf32, #tpu.memory_space<vmem_shared>>)
      %dma_wait3A_527 = arith.constant 32 : i32
      %dma_wait3A_528 = arith.constant 0 : i32
      %dma_wait3A_529 = tpu.memref_slice %arg10[%dma_wait3A_527, %dma_wait3A_528] : memref<64x128xf32, #tpu.memory_space<vmem>> -> memref<16x128xf32, #tpu.memory_space<vmem>>
      %dma_wait3A_530 = arith.constant 0 : i32
      %dma_wait3A_531 = arith.constant 0 : i32
      %dma_wait3A_532 = tpu.memref_slice %arg5[%dma_wait3A_530, %dma_wait3A_531] : memref<10240x128xf32, #tpu.memory_space<vmem_shared>> -> memref<10240x128xf32, #tpu.memory_space<vmem_shared>>
      tpu.wait_indirect_dma semaphore(%arg17 : memref<!tpu.dma_semaphore, #tpu.memory_space<semaphore_mem>>) src(%dma_wait3A_529 : memref<16x128xf32, #tpu.memory_space<vmem>>) dst(%dma_wait3A_532 : memref<10240x128xf32, #tpu.memory_space<vmem_shared>>)
      %dma_wait3A_533 = arith.constant 48 : i32
      %dma_wait3A_534 = arith.constant 0 : i32
      %dma_wait3A_535 = tpu.memref_slice %arg10[%dma_wait3A_533, %dma_wait3A_534] : memref<64x128xf32, #tpu.memory_space<vmem>> -> memref<16x128xf32, #tpu.memory_space<vmem>>
      %dma_wait3A_536 = arith.constant 0 : i32
      %dma_wait3A_537 = arith.constant 0 : i32
      %dma_wait3A_538 = tpu.memref_slice %arg5[%dma_wait3A_536, %dma_wait3A_537] : memref<10240x128xf32, #tpu.memory_space<vmem_shared>> -> memref<10240x128xf32, #tpu.memory_space<vmem_shared>>
      tpu.wait_indirect_dma semaphore(%arg17 : memref<!tpu.dma_semaphore, #tpu.memory_space<semaphore_mem>>) src(%dma_wait3A_535 : memref<16x128xf32, #tpu.memory_space<vmem>>) dst(%dma_wait3A_538 : memref<10240x128xf32, #tpu.memory_space<vmem_shared>>)
      %lt3A_539 = arith.constant 43 : i32
      %lt3A_540 = arith.cmpi slt, %scan3A_253, %lt3A_539 : i32
      %convert_element_type3A_541 = arith.extui %lt3A_540 : i1 to i32
      %cond3A_542 = arith.constant 0 : i32
      %cond3A_543 = arith.cmpi ne, %convert_element_type3A_541, %cond3A_542 : i32
      scf.if %cond3A_543 {
        %add3A_545 = arith.constant 224 : i32
        %add3A_546 = arith.addi %mul3A_256, %add3A_545 : i32
        %add3A_547 = arith.constant 160 : i32
        %add3A_548 = arith.addi %add3A_546, %add3A_547 : i32
        %dma_start3A_549 = arith.constant 0 : i32
        %dma_start3A_550 = arith.constant 0 : i32
        %dma_start3A_551 = tpu.memref_slice %arg10[%dma_start3A_549, %dma_start3A_550] : memref<64x128xf32, #tpu.memory_space<vmem>> -> memref<64x128xf32, #tpu.memory_space<vmem>>
        %dma_start3A_552 = tpu.memref_slice %arg6[%add3A_548] : memref<10000xi32, #tpu.memory_space<vmem>> -> memref<64xi32, #tpu.memory_space<vmem>>
        %dma_start3A_553 = arith.constant 0 : i32
        %dma_start3A_554 = arith.constant 0 : i32
        %dma_start3A_555 = tpu.memref_slice %arg2[%dma_start3A_553, %dma_start3A_554] : memref<10000x128xf32, #tpu.memory_space<hbm>> -> memref<10000x128xf32, #tpu.memory_space<hbm>>
        tpu.enqueue_indirect_dma source(%dma_start3A_555 : memref<10000x128xf32, #tpu.memory_space<hbm>>) target(%dma_start3A_551 : memref<64x128xf32, #tpu.memory_space<vmem>>) offsets(%dma_start3A_552 : memref<64xi32, #tpu.memory_space<vmem>>) semaphore(%arg14 : memref<!tpu.dma_semaphore, #tpu.memory_space<semaphore_mem>>)
      } else {
      }
      %scan3A_544 = arith.constant 0 : i32
      scf.yield %scan3A_544 : i32
    }
    %scan3A_81 = arith.constant 44 : i32
    %dma_wait3A_82 = arith.constant 0 : i32
    %dma_wait3A_83 = arith.constant 0 : i32
    %dma_wait3A_84 = tpu.memref_slice %arg8[%dma_wait3A_82, %dma_wait3A_83] : memref<80x128xf32, #tpu.memory_space<vmem>> -> memref<80x128xf32, #tpu.memory_space<vmem>>
    %dma_wait3A_85 = arith.constant 9856 : i32
    %dma_wait3A_86 = tpu.memref_slice %arg6[%dma_wait3A_85] : memref<10000xi32, #tpu.memory_space<vmem>> -> memref<80xi32, #tpu.memory_space<vmem>>
    %dma_wait3A_87 = arith.constant 0 : i32
    %dma_wait3A_88 = arith.constant 0 : i32
    %dma_wait3A_89 = tpu.memref_slice %arg2[%dma_wait3A_87, %dma_wait3A_88] : memref<10000x128xf32, #tpu.memory_space<hbm>> -> memref<10000x128xf32, #tpu.memory_space<hbm>>
    tpu.wait_indirect_dma semaphore(%arg12 : memref<!tpu.dma_semaphore, #tpu.memory_space<semaphore_mem>>) src(%dma_wait3A_89 : memref<10000x128xf32, #tpu.memory_space<hbm>>) dst(%dma_wait3A_84 : memref<80x128xf32, #tpu.memory_space<vmem>>)
    %get3A = arith.constant 9856 : index
    %get3A_90 = tpu.vector_load %arg7[%get3A] {strides = array<i32>} : memref<10000xi32, #tpu.memory_space<vmem>>, vector<16xi32>,
    %get3A_91 = vector.shape_cast %get3A_90 : vector<16xi32> to vector<16xi32>
    %dma_start3A_92 = arith.constant 0 : i32
    %dma_start3A_93 = arith.constant 0 : i32
    %dma_start3A_94 = tpu.memref_slice %arg8[%dma_start3A_92, %dma_start3A_93] : memref<80x128xf32, #tpu.memory_space<vmem>> -> memref<16x128xf32, #tpu.memory_space<vmem>>
    %dma_start3A_95 = arith.constant 0 : i32
    %dma_start3A_96 = arith.constant 0 : i32
    %dma_start3A_97 = tpu.memref_slice %arg5[%dma_start3A_95, %dma_start3A_96] : memref<10240x128xf32, #tpu.memory_space<vmem_shared>> -> memref<10240x128xf32, #tpu.memory_space<vmem_shared>>
    tpu.enqueue_indirect_dma source(%dma_start3A_94 : memref<16x128xf32, #tpu.memory_space<vmem>>) target(%dma_start3A_97 : memref<10240x128xf32, #tpu.memory_space<vmem_shared>>) offsets(%get3A_91 : vector<16xi32>) semaphore(%arg15 : memref<!tpu.dma_semaphore, #tpu.memory_space<semaphore_mem>>) {add = true}
    %get3A_98 = arith.constant 9872 : index
    %get3A_99 = tpu.vector_load %arg7[%get3A_98] {strides = array<i32>} : memref<10000xi32, #tpu.memory_space<vmem>>, vector<16xi32>,
    %get3A_100 = vector.shape_cast %get3A_99 : vector<16xi32> to vector<16xi32>
    %dma_start3A_101 = arith.constant 16 : i32
    %dma_start3A_102 = arith.constant 0 : i32
    %dma_start3A_103 = tpu.memref_slice %arg8[%dma_start3A_101, %dma_start3A_102] : memref<80x128xf32, #tpu.memory_space<vmem>> -> memref<16x128xf32, #tpu.memory_space<vmem>>
    %dma_start3A_104 = arith.constant 0 : i32
    %dma_start3A_105 = arith.constant 0 : i32
    %dma_start3A_106 = tpu.memref_slice %arg5[%dma_start3A_104, %dma_start3A_105] : memref<10240x128xf32, #tpu.memory_space<vmem_shared>> -> memref<10240x128xf32, #tpu.memory_space<vmem_shared>>
    tpu.enqueue_indirect_dma source(%dma_start3A_103 : memref<16x128xf32, #tpu.memory_space<vmem>>) target(%dma_start3A_106 : memref<10240x128xf32, #tpu.memory_space<vmem_shared>>) offsets(%get3A_100 : vector<16xi32>) semaphore(%arg15 : memref<!tpu.dma_semaphore, #tpu.memory_space<semaphore_mem>>) {add = true}
    %get3A_107 = arith.constant 9888 : index
    %get3A_108 = tpu.vector_load %arg7[%get3A_107] {strides = array<i32>} : memref<10000xi32, #tpu.memory_space<vmem>>, vector<16xi32>,
    %get3A_109 = vector.shape_cast %get3A_108 : vector<16xi32> to vector<16xi32>
    %dma_start3A_110 = arith.constant 32 : i32
    %dma_start3A_111 = arith.constant 0 : i32
    %dma_start3A_112 = tpu.memref_slice %arg8[%dma_start3A_110, %dma_start3A_111] : memref<80x128xf32, #tpu.memory_space<vmem>> -> memref<16x128xf32, #tpu.memory_space<vmem>>
    %dma_start3A_113 = arith.constant 0 : i32
    %dma_start3A_114 = arith.constant 0 : i32
    %dma_start3A_115 = tpu.memref_slice %arg5[%dma_start3A_113, %dma_start3A_114] : memref<10240x128xf32, #tpu.memory_space<vmem_shared>> -> memref<10240x128xf32, #tpu.memory_space<vmem_shared>>
    tpu.enqueue_indirect_dma source(%dma_start3A_112 : memref<16x128xf32, #tpu.memory_space<vmem>>) target(%dma_start3A_115 : memref<10240x128xf32, #tpu.memory_space<vmem_shared>>) offsets(%get3A_109 : vector<16xi32>) semaphore(%arg15 : memref<!tpu.dma_semaphore, #tpu.memory_space<semaphore_mem>>) {add = true}
    %get3A_116 = arith.constant 9904 : index
    %get3A_117 = tpu.vector_load %arg7[%get3A_116] {strides = array<i32>} : memref<10000xi32, #tpu.memory_space<vmem>>, vector<16xi32>,
    %get3A_118 = vector.shape_cast %get3A_117 : vector<16xi32> to vector<16xi32>
    %dma_start3A_119 = arith.constant 48 : i32
    %dma_start3A_120 = arith.constant 0 : i32
    %dma_start3A_121 = tpu.memref_slice %arg8[%dma_start3A_119, %dma_start3A_120] : memref<80x128xf32, #tpu.memory_space<vmem>> -> memref<16x128xf32, #tpu.memory_space<vmem>>
    %dma_start3A_122 = arith.constant 0 : i32
    %dma_start3A_123 = arith.constant 0 : i32
    %dma_start3A_124 = tpu.memref_slice %arg5[%dma_start3A_122, %dma_start3A_123] : memref<10240x128xf32, #tpu.memory_space<vmem_shared>> -> memref<10240x128xf32, #tpu.memory_space<vmem_shared>>
    tpu.enqueue_indirect_dma source(%dma_start3A_121 : memref<16x128xf32, #tpu.memory_space<vmem>>) target(%dma_start3A_124 : memref<10240x128xf32, #tpu.memory_space<vmem_shared>>) offsets(%get3A_118 : vector<16xi32>) semaphore(%arg15 : memref<!tpu.dma_semaphore, #tpu.memory_space<semaphore_mem>>) {add = true}
    %get3A_125 = arith.constant 9920 : index
    %get3A_126 = tpu.vector_load %arg7[%get3A_125] {strides = array<i32>} : memref<10000xi32, #tpu.memory_space<vmem>>, vector<16xi32>,
    %get3A_127 = vector.shape_cast %get3A_126 : vector<16xi32> to vector<16xi32>
    %dma_start3A_128 = arith.constant 64 : i32
    %dma_start3A_129 = arith.constant 0 : i32
    %dma_start3A_130 = tpu.memref_slice %arg8[%dma_start3A_128, %dma_start3A_129] : memref<80x128xf32, #tpu.memory_space<vmem>> -> memref<16x128xf32, #tpu.memory_space<vmem>>
    %dma_start3A_131 = arith.constant 0 : i32
    %dma_start3A_132 = arith.constant 0 : i32
    %dma_start3A_133 = tpu.memref_slice %arg5[%dma_start3A_131, %dma_start3A_132] : memref<10240x128xf32, #tpu.memory_space<vmem_shared>> -> memref<10240x128xf32, #tpu.memory_space<vmem_shared>>
    tpu.enqueue_indirect_dma source(%dma_start3A_130 : memref<16x128xf32, #tpu.memory_space<vmem>>) target(%dma_start3A_133 : memref<10240x128xf32, #tpu.memory_space<vmem_shared>>) offsets(%get3A_127 : vector<16xi32>) semaphore(%arg15 : memref<!tpu.dma_semaphore, #tpu.memory_space<semaphore_mem>>) {add = true}
    %dma_wait3A_134 = arith.constant 0 : i32
    %dma_wait3A_135 = arith.constant 0 : i32
    %dma_wait3A_136 = tpu.memref_slice %arg8[%dma_wait3A_134, %dma_wait3A_135] : memref<80x128xf32, #tpu.memory_space<vmem>> -> memref<16x128xf32, #tpu.memory_space<vmem>>
    %dma_wait3A_137 = arith.constant 0 : i32
    %dma_wait3A_138 = arith.constant 0 : i32
    %dma_wait3A_139 = tpu.memref_slice %arg5[%dma_wait3A_137, %dma_wait3A_138] : memref<10240x128xf32, #tpu.memory_space<vmem_shared>> -> memref<10240x128xf32, #tpu.memory_space<vmem_shared>>
    tpu.wait_indirect_dma semaphore(%arg15 : memref<!tpu.dma_semaphore, #tpu.memory_space<semaphore_mem>>) src(%dma_wait3A_136 : memref<16x128xf32, #tpu.memory_space<vmem>>) dst(%dma_wait3A_139 : memref<10240x128xf32, #tpu.memory_space<vmem_shared>>)
    %dma_wait3A_140 = arith.constant 16 : i32
    %dma_wait3A_141 = arith.constant 0 : i32
    %dma_wait3A_142 = tpu.memref_slice %arg8[%dma_wait3A_140, %dma_wait3A_141] : memref<80x128xf32, #tpu.memory_space<vmem>> -> memref<16x128xf32, #tpu.memory_space<vmem>>
    %dma_wait3A_143 = arith.constant 0 : i32
    %dma_wait3A_144 = arith.constant 0 : i32
    %dma_wait3A_145 = tpu.memref_slice %arg5[%dma_wait3A_143, %dma_wait3A_144] : memref<10240x128xf32, #tpu.memory_space<vmem_shared>> -> memref<10240x128xf32, #tpu.memory_space<vmem_shared>>
    tpu.wait_indirect_dma semaphore(%arg15 : memref<!tpu.dma_semaphore, #tpu.memory_space<semaphore_mem>>) src(%dma_wait3A_142 : memref<16x128xf32, #tpu.memory_space<vmem>>) dst(%dma_wait3A_145 : memref<10240x128xf32, #tpu.memory_space<vmem_shared>>)
    %dma_wait3A_146 = arith.constant 32 : i32
    %dma_wait3A_147 = arith.constant 0 : i32
    %dma_wait3A_148 = tpu.memref_slice %arg8[%dma_wait3A_146, %dma_wait3A_147] : memref<80x128xf32, #tpu.memory_space<vmem>> -> memref<16x128xf32, #tpu.memory_space<vmem>>
    %dma_wait3A_149 = arith.constant 0 : i32
    %dma_wait3A_150 = arith.constant 0 : i32
    %dma_wait3A_151 = tpu.memref_slice %arg5[%dma_wait3A_149, %dma_wait3A_150] : memref<10240x128xf32, #tpu.memory_space<vmem_shared>> -> memref<10240x128xf32, #tpu.memory_space<vmem_shared>>
    tpu.wait_indirect_dma semaphore(%arg15 : memref<!tpu.dma_semaphore, #tpu.memory_space<semaphore_mem>>) src(%dma_wait3A_148 : memref<16x128xf32, #tpu.memory_space<vmem>>) dst(%dma_wait3A_151 : memref<10240x128xf32, #tpu.memory_space<vmem_shared>>)
    %dma_wait3A_152 = arith.constant 48 : i32
    %dma_wait3A_153 = arith.constant 0 : i32
    %dma_wait3A_154 = tpu.memref_slice %arg8[%dma_wait3A_152, %dma_wait3A_153] : memref<80x128xf32, #tpu.memory_space<vmem>> -> memref<16x128xf32, #tpu.memory_space<vmem>>
    %dma_wait3A_155 = arith.constant 0 : i32
    %dma_wait3A_156 = arith.constant 0 : i32
    %dma_wait3A_157 = tpu.memref_slice %arg5[%dma_wait3A_155, %dma_wait3A_156] : memref<10240x128xf32, #tpu.memory_space<vmem_shared>> -> memref<10240x128xf32, #tpu.memory_space<vmem_shared>>
    tpu.wait_indirect_dma semaphore(%arg15 : memref<!tpu.dma_semaphore, #tpu.memory_space<semaphore_mem>>) src(%dma_wait3A_154 : memref<16x128xf32, #tpu.memory_space<vmem>>) dst(%dma_wait3A_157 : memref<10240x128xf32, #tpu.memory_space<vmem_shared>>)
    %dma_wait3A_158 = arith.constant 64 : i32
    %dma_wait3A_159 = arith.constant 0 : i32
    %dma_wait3A_160 = tpu.memref_slice %arg8[%dma_wait3A_158, %dma_wait3A_159] : memref<80x128xf32, #tpu.memory_space<vmem>> -> memref<16x128xf32, #tpu.memory_space<vmem>>
    %dma_wait3A_161 = arith.constant 0 : i32
    %dma_wait3A_162 = arith.constant 0 : i32
    %dma_wait3A_163 = tpu.memref_slice %arg5[%dma_wait3A_161, %dma_wait3A_162] : memref<10240x128xf32, #tpu.memory_space<vmem_shared>> -> memref<10240x128xf32, #tpu.memory_space<vmem_shared>>
    tpu.wait_indirect_dma semaphore(%arg15 : memref<!tpu.dma_semaphore, #tpu.memory_space<semaphore_mem>>) src(%dma_wait3A_160 : memref<16x128xf32, #tpu.memory_space<vmem>>) dst(%dma_wait3A_163 : memref<10240x128xf32, #tpu.memory_space<vmem_shared>>)
    %dma_wait3A_164 = arith.constant 0 : i32
    %dma_wait3A_165 = arith.constant 0 : i32
    %dma_wait3A_166 = tpu.memref_slice %arg9[%dma_wait3A_164, %dma_wait3A_165] : memref<80x128xf32, #tpu.memory_space<vmem>> -> memref<64x128xf32, #tpu.memory_space<vmem>>
    %dma_wait3A_167 = arith.constant 9936 : i32
    %dma_wait3A_168 = tpu.memref_slice %arg6[%dma_wait3A_167] : memref<10000xi32, #tpu.memory_space<vmem>> -> memref<64xi32, #tpu.memory_space<vmem>>
    %dma_wait3A_169 = arith.constant 0 : i32
    %dma_wait3A_170 = arith.constant 0 : i32
    %dma_wait3A_171 = tpu.memref_slice %arg2[%dma_wait3A_169, %dma_wait3A_170] : memref<10000x128xf32, #tpu.memory_space<hbm>> -> memref<10000x128xf32, #tpu.memory_space<hbm>>
    tpu.wait_indirect_dma semaphore(%arg13 : memref<!tpu.dma_semaphore, #tpu.memory_space<semaphore_mem>>) src(%dma_wait3A_171 : memref<10000x128xf32, #tpu.memory_space<hbm>>) dst(%dma_wait3A_166 : memref<64x128xf32, #tpu.memory_space<vmem>>)
    %get3A_172 = arith.constant 9936 : index
    %get3A_173 = tpu.vector_load %arg7[%get3A_172] {strides = array<i32>} : memref<10000xi32, #tpu.memory_space<vmem>>, vector<16xi32>,
    %get3A_174 = vector.shape_cast %get3A_173 : vector<16xi32> to vector<16xi32>
    %dma_start3A_175 = arith.constant 0 : i32
    %dma_start3A_176 = arith.constant 0 : i32
    %dma_start3A_177 = tpu.memref_slice %arg9[%dma_start3A_175, %dma_start3A_176] : memref<80x128xf32, #tpu.memory_space<vmem>> -> memref<16x128xf32, #tpu.memory_space<vmem>>
    %dma_start3A_178 = arith.constant 0 : i32
    %dma_start3A_179 = arith.constant 0 : i32
    %dma_start3A_180 = tpu.memref_slice %arg5[%dma_start3A_178, %dma_start3A_179] : memref<10240x128xf32, #tpu.memory_space<vmem_shared>> -> memref<10240x128xf32, #tpu.memory_space<vmem_shared>>
    tpu.enqueue_indirect_dma source(%dma_start3A_177 : memref<16x128xf32, #tpu.memory_space<vmem>>) target(%dma_start3A_180 : memref<10240x128xf32, #tpu.memory_space<vmem_shared>>) offsets(%get3A_174 : vector<16xi32>) semaphore(%arg16 : memref<!tpu.dma_semaphore, #tpu.memory_space<semaphore_mem>>) {add = true}
    %get3A_181 = arith.constant 9952 : index
    %get3A_182 = tpu.vector_load %arg7[%get3A_181] {strides = array<i32>} : memref<10000xi32, #tpu.memory_space<vmem>>, vector<16xi32>,
    %get3A_183 = vector.shape_cast %get3A_182 : vector<16xi32> to vector<16xi32>
    %dma_start3A_184 = arith.constant 16 : i32
    %dma_start3A_185 = arith.constant 0 : i32
    %dma_start3A_186 = tpu.memref_slice %arg9[%dma_start3A_184, %dma_start3A_185] : memref<80x128xf32, #tpu.memory_space<vmem>> -> memref<16x128xf32, #tpu.memory_space<vmem>>
    %dma_start3A_187 = arith.constant 0 : i32
    %dma_start3A_188 = arith.constant 0 : i32
    %dma_start3A_189 = tpu.memref_slice %arg5[%dma_start3A_187, %dma_start3A_188] : memref<10240x128xf32, #tpu.memory_space<vmem_shared>> -> memref<10240x128xf32, #tpu.memory_space<vmem_shared>>
    tpu.enqueue_indirect_dma source(%dma_start3A_186 : memref<16x128xf32, #tpu.memory_space<vmem>>) target(%dma_start3A_189 : memref<10240x128xf32, #tpu.memory_space<vmem_shared>>) offsets(%get3A_183 : vector<16xi32>) semaphore(%arg16 : memref<!tpu.dma_semaphore, #tpu.memory_space<semaphore_mem>>) {add = true}
    %get3A_190 = arith.constant 9968 : index
    %get3A_191 = tpu.vector_load %arg7[%get3A_190] {strides = array<i32>} : memref<10000xi32, #tpu.memory_space<vmem>>, vector<16xi32>,
    %get3A_192 = vector.shape_cast %get3A_191 : vector<16xi32> to vector<16xi32>
    %dma_start3A_193 = arith.constant 32 : i32
    %dma_start3A_194 = arith.constant 0 : i32
    %dma_start3A_195 = tpu.memref_slice %arg9[%dma_start3A_193, %dma_start3A_194] : memref<80x128xf32, #tpu.memory_space<vmem>> -> memref<16x128xf32, #tpu.memory_space<vmem>>
    %dma_start3A_196 = arith.constant 0 : i32
    %dma_start3A_197 = arith.constant 0 : i32
    %dma_start3A_198 = tpu.memref_slice %arg5[%dma_start3A_196, %dma_start3A_197] : memref<10240x128xf32, #tpu.memory_space<vmem_shared>> -> memref<10240x128xf32, #tpu.memory_space<vmem_shared>>
    tpu.enqueue_indirect_dma source(%dma_start3A_195 : memref<16x128xf32, #tpu.memory_space<vmem>>) target(%dma_start3A_198 : memref<10240x128xf32, #tpu.memory_space<vmem_shared>>) offsets(%get3A_192 : vector<16xi32>) semaphore(%arg16 : memref<!tpu.dma_semaphore, #tpu.memory_space<semaphore_mem>>) {add = true}
    %get3A_199 = arith.constant 9984 : index
    %get3A_200 = tpu.vector_load %arg7[%get3A_199] {strides = array<i32>} : memref<10000xi32, #tpu.memory_space<vmem>>, vector<16xi32>,
    %get3A_201 = vector.shape_cast %get3A_200 : vector<16xi32> to vector<16xi32>
    %dma_start3A_202 = arith.constant 48 : i32
    %dma_start3A_203 = arith.constant 0 : i32
    %dma_start3A_204 = tpu.memref_slice %arg9[%dma_start3A_202, %dma_start3A_203] : memref<80x128xf32, #tpu.memory_space<vmem>> -> memref<16x128xf32, #tpu.memory_space<vmem>>
    %dma_start3A_205 = arith.constant 0 : i32
    %dma_start3A_206 = arith.constant 0 : i32
    %dma_start3A_207 = tpu.memref_slice %arg5[%dma_start3A_205, %dma_start3A_206] : memref<10240x128xf32, #tpu.memory_space<vmem_shared>> -> memref<10240x128xf32, #tpu.memory_space<vmem_shared>>
    tpu.enqueue_indirect_dma source(%dma_start3A_204 : memref<16x128xf32, #tpu.memory_space<vmem>>) target(%dma_start3A_207 : memref<10240x128xf32, #tpu.memory_space<vmem_shared>>) offsets(%get3A_201 : vector<16xi32>) semaphore(%arg16 : memref<!tpu.dma_semaphore, #tpu.memory_space<semaphore_mem>>) {add = true}
    %dma_wait3A_208 = arith.constant 0 : i32
    %dma_wait3A_209 = arith.constant 0 : i32
    %dma_wait3A_210 = tpu.memref_slice %arg9[%dma_wait3A_208, %dma_wait3A_209] : memref<80x128xf32, #tpu.memory_space<vmem>> -> memref<16x128xf32, #tpu.memory_space<vmem>>
    %dma_wait3A_211 = arith.constant 0 : i32
    %dma_wait3A_212 = arith.constant 0 : i32
    %dma_wait3A_213 = tpu.memref_slice %arg5[%dma_wait3A_211, %dma_wait3A_212] : memref<10240x128xf32, #tpu.memory_space<vmem_shared>> -> memref<10240x128xf32, #tpu.memory_space<vmem_shared>>
    tpu.wait_indirect_dma semaphore(%arg16 : memref<!tpu.dma_semaphore, #tpu.memory_space<semaphore_mem>>) src(%dma_wait3A_210 : memref<16x128xf32, #tpu.memory_space<vmem>>) dst(%dma_wait3A_213 : memref<10240x128xf32, #tpu.memory_space<vmem_shared>>)
    %dma_wait3A_214 = arith.constant 16 : i32
    %dma_wait3A_215 = arith.constant 0 : i32
    %dma_wait3A_216 = tpu.memref_slice %arg9[%dma_wait3A_214, %dma_wait3A_215] : memref<80x128xf32, #tpu.memory_space<vmem>> -> memref<16x128xf32, #tpu.memory_space<vmem>>
    %dma_wait3A_217 = arith.constant 0 : i32
    %dma_wait3A_218 = arith.constant 0 : i32
    %dma_wait3A_219 = tpu.memref_slice %arg5[%dma_wait3A_217, %dma_wait3A_218] : memref<10240x128xf32, #tpu.memory_space<vmem_shared>> -> memref<10240x128xf32, #tpu.memory_space<vmem_shared>>
    tpu.wait_indirect_dma semaphore(%arg16 : memref<!tpu.dma_semaphore, #tpu.memory_space<semaphore_mem>>) src(%dma_wait3A_216 : memref<16x128xf32, #tpu.memory_space<vmem>>) dst(%dma_wait3A_219 : memref<10240x128xf32, #tpu.memory_space<vmem_shared>>)
    %dma_wait3A_220 = arith.constant 32 : i32
    %dma_wait3A_221 = arith.constant 0 : i32
    %dma_wait3A_222 = tpu.memref_slice %arg9[%dma_wait3A_220, %dma_wait3A_221] : memref<80x128xf32, #tpu.memory_space<vmem>> -> memref<16x128xf32, #tpu.memory_space<vmem>>
    %dma_wait3A_223 = arith.constant 0 : i32
    %dma_wait3A_224 = arith.constant 0 : i32
    %dma_wait3A_225 = tpu.memref_slice %arg5[%dma_wait3A_223, %dma_wait3A_224] : memref<10240x128xf32, #tpu.memory_space<vmem_shared>> -> memref<10240x128xf32, #tpu.memory_space<vmem_shared>>
    tpu.wait_indirect_dma semaphore(%arg16 : memref<!tpu.dma_semaphore, #tpu.memory_space<semaphore_mem>>) src(%dma_wait3A_222 : memref<16x128xf32, #tpu.memory_space<vmem>>) dst(%dma_wait3A_225 : memref<10240x128xf32, #tpu.memory_space<vmem_shared>>)
    %dma_wait3A_226 = arith.constant 48 : i32
    %dma_wait3A_227 = arith.constant 0 : i32
    %dma_wait3A_228 = tpu.memref_slice %arg9[%dma_wait3A_226, %dma_wait3A_227] : memref<80x128xf32, #tpu.memory_space<vmem>> -> memref<16x128xf32, #tpu.memory_space<vmem>>
    %dma_wait3A_229 = arith.constant 0 : i32
    %dma_wait3A_230 = arith.constant 0 : i32
    %dma_wait3A_231 = tpu.memref_slice %arg5[%dma_wait3A_229, %dma_wait3A_230] : memref<10240x128xf32, #tpu.memory_space<vmem_shared>> -> memref<10240x128xf32, #tpu.memory_space<vmem_shared>>
    tpu.wait_indirect_dma semaphore(%arg16 : memref<!tpu.dma_semaphore, #tpu.memory_space<semaphore_mem>>) src(%dma_wait3A_228 : memref<16x128xf32, #tpu.memory_space<vmem>>) dst(%dma_wait3A_231 : memref<10240x128xf32, #tpu.memory_space<vmem_shared>>)
    %barrier3A_232 = arith.constant 0 : index
    tpu.barrier barrier_id(%barrier3A_232)
    %mul3A_233 = arith.constant 640 : i32
    %mul3A_234 = arith.muli %arg1, %mul3A_233 : i32
    %add3A_235 = arith.constant 0 : i32
    %add3A_236 = arith.addi %mul3A_234, %add3A_235 : i32
    "tpu.region"() ({
      %run_scoped3A = tpu.sem_alloc : memref<!tpu.dma_semaphore, #tpu.memory_space<semaphore_mem>>
      %dma_start3A_253 = arith.constant 0 : i32
      %dma_start3A_254 = tpu.memref_slice %arg4[%arg0, %add3A_236, %dma_start3A_253] : memref<2x10240x128xf32, #tpu.memory_space<hbm>> -> memref<1x128x128xf32, #tpu.memory_space<hbm>>
      %dma_start3A_255 = tpu.memref_squeeze %dma_start3A_254 : memref<1x128x128xf32, #tpu.memory_space<hbm>> -> memref<128x128xf32, #tpu.memory_space<hbm>>
      %dma_start3A_256 = arith.constant 0 : i32
      %dma_start3A_257 = tpu.memref_slice %arg5[%add3A_236, %dma_start3A_256] : memref<10240x128xf32, #tpu.memory_space<vmem_shared>> -> memref<128x128xf32, #tpu.memory_space<vmem_shared>>
      tpu.enqueue_dma source(%dma_start3A_257 : memref<128x128xf32, #tpu.memory_space<vmem_shared>>) target(%dma_start3A_255 : memref<128x128xf32, #tpu.memory_space<hbm>>) target_semaphore(%run_scoped3A : memref<!tpu.dma_semaphore, #tpu.memory_space<semaphore_mem>>)
      %dma_wait3A_258 = arith.constant 0 : i32
      %dma_wait3A_259 = tpu.memref_slice %arg4[%arg0, %add3A_236, %dma_wait3A_258] : memref<2x10240x128xf32, #tpu.memory_space<hbm>> -> memref<1x128x128xf32, #tpu.memory_space<hbm>>
      %dma_wait3A_260 = tpu.memref_squeeze %dma_wait3A_259 : memref<1x128x128xf32, #tpu.memory_space<hbm>> -> memref<128x128xf32, #tpu.memory_space<hbm>>
      %dma_wait3A_261 = arith.constant 0 : i32
      %dma_wait3A_262 = tpu.memref_slice %arg5[%add3A_236, %dma_wait3A_261] : memref<10240x128xf32, #tpu.memory_space<vmem_shared>> -> memref<128x128xf32, #tpu.memory_space<vmem_shared>>
      tpu.wait_dma2 semaphore(%run_scoped3A : memref<!tpu.dma_semaphore, #tpu.memory_space<semaphore_mem>>) src(%dma_wait3A_262 : memref<128x128xf32, #tpu.memory_space<vmem_shared>>) dst(%dma_wait3A_260 : memref<128x128xf32, #tpu.memory_space<hbm>>)
      tpu.yield
    }) : () -> ()
    %mul3A_237 = arith.constant 640 : i32
    %mul3A_238 = arith.muli %arg1, %mul3A_237 : i32
    %add3A_239 = arith.constant 128 : i32
    %add3A_240 = arith.addi %mul3A_238, %add3A_239 : i32
    "tpu.region"() ({
      %run_scoped3A = tpu.sem_alloc : memref<!tpu.dma_semaphore, #tpu.memory_space<semaphore_mem>>
      %dma_start3A_253 = arith.constant 0 : i32
      %dma_start3A_254 = tpu.memref_slice %arg4[%arg0, %add3A_240, %dma_start3A_253] : memref<2x10240x128xf32, #tpu.memory_space<hbm>> -> memref<1x128x128xf32, #tpu.memory_space<hbm>>
      %dma_start3A_255 = tpu.memref_squeeze %dma_start3A_254 : memref<1x128x128xf32, #tpu.memory_space<hbm>> -> memref<128x128xf32, #tpu.memory_space<hbm>>
      %dma_start3A_256 = arith.constant 0 : i32
      %dma_start3A_257 = tpu.memref_slice %arg5[%add3A_240, %dma_start3A_256] : memref<10240x128xf32, #tpu.memory_space<vmem_shared>> -> memref<128x128xf32, #tpu.memory_space<vmem_shared>>
      tpu.enqueue_dma source(%dma_start3A_257 : memref<128x128xf32, #tpu.memory_space<vmem_shared>>) target(%dma_start3A_255 : memref<128x128xf32, #tpu.memory_space<hbm>>) target_semaphore(%run_scoped3A : memref<!tpu.dma_semaphore, #tpu.memory_space<semaphore_mem>>)
      %dma_wait3A_258 = arith.constant 0 : i32
      %dma_wait3A_259 = tpu.memref_slice %arg4[%arg0, %add3A_240, %dma_wait3A_258] : memref<2x10240x128xf32, #tpu.memory_space<hbm>> -> memref<1x128x128xf32, #tpu.memory_space<hbm>>
      %dma_wait3A_260 = tpu.memref_squeeze %dma_wait3A_259 : memref<1x128x128xf32, #tpu.memory_space<hbm>> -> memref<128x128xf32, #tpu.memory_space<hbm>>
      %dma_wait3A_261 = arith.constant 0 : i32
      %dma_wait3A_262 = tpu.memref_slice %arg5[%add3A_240, %dma_wait3A_261] : memref<10240x128xf32, #tpu.memory_space<vmem_shared>> -> memref<128x128xf32, #tpu.memory_space<vmem_shared>>
      tpu.wait_dma2 semaphore(%run_scoped3A : memref<!tpu.dma_semaphore, #tpu.memory_space<semaphore_mem>>) src(%dma_wait3A_262 : memref<128x128xf32, #tpu.memory_space<vmem_shared>>) dst(%dma_wait3A_260 : memref<128x128xf32, #tpu.memory_space<hbm>>)
      tpu.yield
    }) : () -> ()
    %mul3A_241 = arith.constant 640 : i32
    %mul3A_242 = arith.muli %arg1, %mul3A_241 : i32
    %add3A_243 = arith.constant 256 : i32
    %add3A_244 = arith.addi %mul3A_242, %add3A_243 : i32
    "tpu.region"() ({
      %run_scoped3A = tpu.sem_alloc : memref<!tpu.dma_semaphore, #tpu.memory_space<semaphore_mem>>
      %dma_start3A_253 = arith.constant 0 : i32
      %dma_start3A_254 = tpu.memref_slice %arg4[%arg0, %add3A_244, %dma_start3A_253] : memref<2x10240x128xf32, #tpu.memory_space<hbm>> -> memref<1x128x128xf32, #tpu.memory_space<hbm>>
      %dma_start3A_255 = tpu.memref_squeeze %dma_start3A_254 : memref<1x128x128xf32, #tpu.memory_space<hbm>> -> memref<128x128xf32, #tpu.memory_space<hbm>>
      %dma_start3A_256 = arith.constant 0 : i32
      %dma_start3A_257 = tpu.memref_slice %arg5[%add3A_244, %dma_start3A_256] : memref<10240x128xf32, #tpu.memory_space<vmem_shared>> -> memref<128x128xf32, #tpu.memory_space<vmem_shared>>
      tpu.enqueue_dma source(%dma_start3A_257 : memref<128x128xf32, #tpu.memory_space<vmem_shared>>) target(%dma_start3A_255 : memref<128x128xf32, #tpu.memory_space<hbm>>) target_semaphore(%run_scoped3A : memref<!tpu.dma_semaphore, #tpu.memory_space<semaphore_mem>>)
      %dma_wait3A_258 = arith.constant 0 : i32
      %dma_wait3A_259 = tpu.memref_slice %arg4[%arg0, %add3A_244, %dma_wait3A_258] : memref<2x10240x128xf32, #tpu.memory_space<hbm>> -> memref<1x128x128xf32, #tpu.memory_space<hbm>>
      %dma_wait3A_260 = tpu.memref_squeeze %dma_wait3A_259 : memref<1x128x128xf32, #tpu.memory_space<hbm>> -> memref<128x128xf32, #tpu.memory_space<hbm>>
      %dma_wait3A_261 = arith.constant 0 : i32
      %dma_wait3A_262 = tpu.memref_slice %arg5[%add3A_244, %dma_wait3A_261] : memref<10240x128xf32, #tpu.memory_space<vmem_shared>> -> memref<128x128xf32, #tpu.memory_space<vmem_shared>>
      tpu.wait_dma2 semaphore(%run_scoped3A : memref<!tpu.dma_semaphore, #tpu.memory_space<semaphore_mem>>) src(%dma_wait3A_262 : memref<128x128xf32, #tpu.memory_space<vmem_shared>>) dst(%dma_wait3A_260 : memref<128x128xf32, #tpu.memory_space<hbm>>)
      tpu.yield
    }) : () -> ()
    %mul3A_245 = arith.constant 640 : i32
    %mul3A_246 = arith.muli %arg1, %mul3A_245 : i32
    %add3A_247 = arith.constant 384 : i32
    %add3A_248 = arith.addi %mul3A_246, %add3A_247 : i32
    "tpu.region"() ({
      %run_scoped3A = tpu.sem_alloc : memref<!tpu.dma_semaphore, #tpu.memory_space<semaphore_mem>>
      %dma_start3A_253 = arith.constant 0 : i32
      %dma_start3A_254 = tpu.memref_slice %arg4[%arg0, %add3A_248, %dma_start3A_253] : memref<2x10240x128xf32, #tpu.memory_space<hbm>> -> memref<1x128x128xf32, #tpu.memory_space<hbm>>
      %dma_start3A_255 = tpu.memref_squeeze %dma_start3A_254 : memref<1x128x128xf32, #tpu.memory_space<hbm>> -> memref<128x128xf32, #tpu.memory_space<hbm>>
      %dma_start3A_256 = arith.constant 0 : i32
      %dma_start3A_257 = tpu.memref_slice %arg5[%add3A_248, %dma_start3A_256] : memref<10240x128xf32, #tpu.memory_space<vmem_shared>> -> memref<128x128xf32, #tpu.memory_space<vmem_shared>>
      tpu.enqueue_dma source(%dma_start3A_257 : memref<128x128xf32, #tpu.memory_space<vmem_shared>>) target(%dma_start3A_255 : memref<128x128xf32, #tpu.memory_space<hbm>>) target_semaphore(%run_scoped3A : memref<!tpu.dma_semaphore, #tpu.memory_space<semaphore_mem>>)
      %dma_wait3A_258 = arith.constant 0 : i32
      %dma_wait3A_259 = tpu.memref_slice %arg4[%arg0, %add3A_248, %dma_wait3A_258] : memref<2x10240x128xf32, #tpu.memory_space<hbm>> -> memref<1x128x128xf32, #tpu.memory_space<hbm>>
      %dma_wait3A_260 = tpu.memref_squeeze %dma_wait3A_259 : memref<1x128x128xf32, #tpu.memory_space<hbm>> -> memref<128x128xf32, #tpu.memory_space<hbm>>
      %dma_wait3A_261 = arith.constant 0 : i32
      %dma_wait3A_262 = tpu.memref_slice %arg5[%add3A_248, %dma_wait3A_261] : memref<10240x128xf32, #tpu.memory_space<vmem_shared>> -> memref<128x128xf32, #tpu.memory_space<vmem_shared>>
      tpu.wait_dma2 semaphore(%run_scoped3A : memref<!tpu.dma_semaphore, #tpu.memory_space<semaphore_mem>>) src(%dma_wait3A_262 : memref<128x128xf32, #tpu.memory_space<vmem_shared>>) dst(%dma_wait3A_260 : memref<128x128xf32, #tpu.memory_space<hbm>>)
      tpu.yield
    }) : () -> ()
    %mul3A_249 = arith.constant 640 : i32
    %mul3A_250 = arith.muli %arg1, %mul3A_249 : i32
    %add3A_251 = arith.constant 512 : i32
    %add3A_252 = arith.addi %mul3A_250, %add3A_251 : i32
    "tpu.region"() ({
      %run_scoped3A = tpu.sem_alloc : memref<!tpu.dma_semaphore, #tpu.memory_space<semaphore_mem>>
      %dma_start3A_253 = arith.constant 0 : i32
      %dma_start3A_254 = tpu.memref_slice %arg4[%arg0, %add3A_252, %dma_start3A_253] : memref<2x10240x128xf32, #tpu.memory_space<hbm>> -> memref<1x128x128xf32, #tpu.memory_space<hbm>>
      %dma_start3A_255 = tpu.memref_squeeze %dma_start3A_254 : memref<1x128x128xf32, #tpu.memory_space<hbm>> -> memref<128x128xf32, #tpu.memory_space<hbm>>
      %dma_start3A_256 = arith.constant 0 : i32
      %dma_start3A_257 = tpu.memref_slice %arg5[%add3A_252, %dma_start3A_256] : memref<10240x128xf32, #tpu.memory_space<vmem_shared>> -> memref<128x128xf32, #tpu.memory_space<vmem_shared>>
      tpu.enqueue_dma source(%dma_start3A_257 : memref<128x128xf32, #tpu.memory_space<vmem_shared>>) target(%dma_start3A_255 : memref<128x128xf32, #tpu.memory_space<hbm>>) target_semaphore(%run_scoped3A : memref<!tpu.dma_semaphore, #tpu.memory_space<semaphore_mem>>)
      %dma_wait3A_258 = arith.constant 0 : i32
      %dma_wait3A_259 = tpu.memref_slice %arg4[%arg0, %add3A_252, %dma_wait3A_258] : memref<2x10240x128xf32, #tpu.memory_space<hbm>> -> memref<1x128x128xf32, #tpu.memory_space<hbm>>
      %dma_wait3A_260 = tpu.memref_squeeze %dma_wait3A_259 : memref<1x128x128xf32, #tpu.memory_space<hbm>> -> memref<128x128xf32, #tpu.memory_space<hbm>>
      %dma_wait3A_261 = arith.constant 0 : i32
      %dma_wait3A_262 = tpu.memref_slice %arg5[%add3A_252, %dma_wait3A_261] : memref<10240x128xf32, #tpu.memory_space<vmem_shared>> -> memref<128x128xf32, #tpu.memory_space<vmem_shared>>
      tpu.wait_dma2 semaphore(%run_scoped3A : memref<!tpu.dma_semaphore, #tpu.memory_space<semaphore_mem>>) src(%dma_wait3A_262 : memref<128x128xf32, #tpu.memory_space<vmem_shared>>) dst(%dma_wait3A_260 : memref<128x128xf32, #tpu.memory_space<hbm>>)
      tpu.yield
    }) : () -> ()
    return
  }
}

module attributes {stable_mosaic.version = 14 : i64} {
  func.func @_head_body(%arg0: i32, %arg1: memref<2000x128xf32, #tpu.memory_space<vmem>>, %arg2: memref<2x2000x128xf32, #tpu.memory_space<vmem>>, %arg3: memref<1x1x2000xi32, #tpu.memory_space<vmem>>, %arg4: memref<1x20xf32, #tpu.memory_space<vmem>>, %arg5: memref<128x128xf32, #tpu.memory_space<vmem>>, %arg6: memref<1x128xf32, #tpu.memory_space<vmem>>, %arg7: memref<128x20xf32, #tpu.memory_space<vmem>>, %arg8: memref<1x20xf32, #tpu.memory_space<vmem>>, %arg9: memref<2000x20xf32, #tpu.memory_space<vmem>>, %arg10: memref<1x1xf32, #tpu.memory_space<vmem>>, %arg11: memref<2xf32, #tpu.memory_space<smem>>) attributes {dimension_semantics = [#tpu.dimension_semantics<arbitrary>], iteration_bounds = array<i64: 5>, scalar_prefetch = 0 : i64, scratch_operands = 1 : i64, tpu.core_type = #tpu.core_type<tc>, window_params = [{transform_indices = @transform_0, window_bounds = array<i64: 2000, 128>}, {transform_indices = @transform_1, window_bounds = array<i64: 2, 2000, 128>}, {transform_indices = @transform_2, window_bounds = array<i64: 1, 1, 2000>}, {pipeline_mode = #tpu.pipeline_mode<synchronous>, transform_indices = @transform_3, window_bounds = array<i64: 1, 20>}, {pipeline_mode = #tpu.pipeline_mode<synchronous>, transform_indices = @transform_4, window_bounds = array<i64: 128, 128>}, {pipeline_mode = #tpu.pipeline_mode<synchronous>, transform_indices = @transform_5, window_bounds = array<i64: 1, 128>}, {pipeline_mode = #tpu.pipeline_mode<synchronous>, transform_indices = @transform_6, window_bounds = array<i64: 128, 20>}, {pipeline_mode = #tpu.pipeline_mode<synchronous>, transform_indices = @transform_7, window_bounds = array<i64: 1, 20>}, {transform_indices = @transform_8, window_bounds = array<i64: 2000, 20>}, {pipeline_mode = #tpu.pipeline_mode<synchronous>, transform_indices = @transform_9, window_bounds = array<i64: 1, 1>}]} {
    %get3A = arith.constant 0 : index
    %get3A_0 = arith.constant 0 : index
    %get3A_1 = vector.load %arg1[%get3A, %get3A_0] : memref<2000x128xf32, #tpu.memory_space<vmem>>, vector<2000x128xf32>
    %get3A_2 = arith.constant 0 : index
    %get3A_3 = arith.constant 0 : index
    %get3A_4 = arith.constant 0 : index
    %get3A_5 = vector.load %arg2[%get3A_2, %get3A_3, %get3A_4] : memref<2x2000x128xf32, #tpu.memory_space<vmem>>, vector<1x2000x128xf32>
    %get3A_6 = vector.shape_cast %get3A_5 : vector<1x2000x128xf32> to vector<2000x128xf32>
    %add3A = arith.addf %get3A_1, %get3A_6 : vector<2000x128xf32>
    %get3A_7 = arith.constant 1 : index
    %get3A_8 = arith.constant 0 : index
    %get3A_9 = arith.constant 0 : index
    %get3A_10 = vector.load %arg2[%get3A_7, %get3A_8, %get3A_9] : memref<2x2000x128xf32, #tpu.memory_space<vmem>>, vector<1x2000x128xf32>
    %get3A_11 = vector.shape_cast %get3A_10 : vector<1x2000x128xf32> to vector<2000x128xf32>
    %add3A_12 = arith.addf %add3A, %get3A_11 : vector<2000x128xf32>
    %get3A_13 = arith.constant 0 : index
    %get3A_14 = arith.constant 0 : index
    %get3A_15 = vector.load %arg5[%get3A_13, %get3A_14] : memref<128x128xf32, #tpu.memory_space<vmem>>, vector<128x128xf32>
    %dot_general3A = arith.constant dense<0.000000e+00> : vector<2000x128xf32>
    %dot_general3A_16 = tpu.matmul %add3A_12, %get3A_15, %dot_general3A {dimension_numbers = #tpu.dot_dimension_numbers<[1], [0], [0], [1], [0, 0, 1, 1], [], []>, transpose_lhs_hint = false} : vector<2000x128xf32>, vector<128x128xf32>, vector<2000x128xf32> -> vector<2000x128xf32>
    %get3A_17 = arith.constant 0 : index
    %get3A_18 = arith.constant 0 : index
    %get3A_19 = vector.load %arg6[%get3A_17, %get3A_18] : memref<1x128xf32, #tpu.memory_space<vmem>>, vector<1x128xf32>
    %add3A_20 = vector.broadcast %get3A_19 : vector<1x128xf32> to vector<2000x128xf32>
    %add3A_21 = arith.addf %dot_general3A_16, %add3A_20 : vector<2000x128xf32>
    %max3A = arith.constant 0.000000e+00 : f32
    %max3A_22 = vector.broadcast %max3A : f32 to vector<2000x128xf32>
    %max3A_23 = arith.maximumf %add3A_21, %max3A_22 : vector<2000x128xf32>
    %get3A_24 = arith.constant 0 : index
    %get3A_25 = arith.constant 0 : index
    %get3A_26 = vector.load %arg7[%get3A_24, %get3A_25] : memref<128x20xf32, #tpu.memory_space<vmem>>, vector<128x20xf32>
    %dot_general3A_27 = arith.constant dense<0.000000e+00> : vector<2000x20xf32>
    %dot_general3A_28 = tpu.matmul %max3A_23, %get3A_26, %dot_general3A_27 {dimension_numbers = #tpu.dot_dimension_numbers<[1], [0], [0], [1], [0, 0, 1, 1], [], []>, transpose_lhs_hint = false} : vector<2000x128xf32>, vector<128x20xf32>, vector<2000x20xf32> -> vector<2000x20xf32>
    %get3A_29 = arith.constant 0 : index
    %get3A_30 = arith.constant 0 : index
    %get3A_31 = vector.load %arg8[%get3A_29, %get3A_30] : memref<1x20xf32, #tpu.memory_space<vmem>>, vector<1x20xf32>
    %add3A_32 = vector.broadcast %get3A_31 : vector<1x20xf32> to vector<2000x20xf32>
    %add3A_33 = arith.addf %dot_general3A_28, %add3A_32 : vector<2000x20xf32>
    %reduce_max3A = arith.constant dense<0xFF800000> : vector<2000xf32>
    %reduce_max3A_34 = vector.multi_reduction <maximumf>, %add3A_33, %reduce_max3A [1] : vector<2000x20xf32> to vector<2000xf32>
    %broadcast_in_dim3A = vector.shape_cast %reduce_max3A_34 : vector<2000xf32> to vector<2000x1xf32>
    %sub3A = vector.broadcast %broadcast_in_dim3A : vector<2000x1xf32> to vector<2000x20xf32>
    %sub3A_35 = arith.subf %add3A_33, %sub3A : vector<2000x20xf32>
    %exp3A = math.exp %sub3A_35 : vector<2000x20xf32>
    %reduce_sum3A = arith.constant dense<0.000000e+00> : vector<2000xf32>
    %reduce_sum3A_36 = vector.multi_reduction <add>, %exp3A, %reduce_sum3A [1] : vector<2000x20xf32> to vector<2000xf32>
    %broadcast_in_dim3A_37 = vector.shape_cast %reduce_sum3A_36 : vector<2000xf32> to vector<2000x1xf32>
    %log3A = math.log %broadcast_in_dim3A_37 : vector<2000x1xf32>
    %add3A_38 = arith.addf %broadcast_in_dim3A, %log3A : vector<2000x1xf32>
    %sub3A_39 = vector.broadcast %add3A_38 : vector<2000x1xf32> to vector<2000x20xf32>
    %sub3A_40 = arith.subf %add3A_33, %sub3A_39 : vector<2000x20xf32>
    %swap3A = arith.constant 0 : index
    %swap3A_41 = arith.constant 0 : index
    %swap3A_42 = vector.load %arg9[%swap3A, %swap3A_41] : memref<2000x20xf32, #tpu.memory_space<vmem>>, vector<2000x20xf32>
    tpu.vector_store %arg9[%swap3A, %swap3A_41], %sub3A_40 {strides = array<i32>} : memref<2000x20xf32, #tpu.memory_space<vmem>>, vector<2000x20xf32>,
    %get3A_43 = arith.constant 0 : index
    %get3A_44 = arith.constant 0 : index
    %get3A_45 = arith.constant 0 : index
    %get3A_46 = vector.load %arg3[%get3A_43, %get3A_44, %get3A_45] : memref<1x1x2000xi32, #tpu.memory_space<vmem>>, vector<1x1x2000xi32>
    %get3A_47 = vector.shape_cast %get3A_46 : vector<1x1x2000xi32> to vector<2000xi32>
    %ne3A = arith.constant -1 : i32
    %ne3A_48 = vector.broadcast %ne3A : i32 to vector<2000xi32>
    %ne3A_49 = arith.cmpi ne, %get3A_47, %ne3A_48 : vector<2000xi32>
    %jit3A = arith.constant 0 : i32
    %broadcast_in_dim3A_50 = vector.broadcast %jit3A : i32 to vector<2000xi32>
    %select_n3A = arith.select %ne3A_49, %get3A_47, %broadcast_in_dim3A_50 : vector<2000xi1>, vector<2000xi32>
    %broadcast_in_dim3A_51 = vector.shape_cast %select_n3A : vector<2000xi32> to vector<2000x1xi32>
    %iota3A = tpu.iota {dimensions = array<i32: 1>} : vector<2000x20xi32>
    %eq3A = vector.broadcast %broadcast_in_dim3A_51 : vector<2000x1xi32> to vector<2000x20xi32>
    %eq3A_52 = arith.cmpi eq, %eq3A, %iota3A : vector<2000x20xi32>
    %jit3A_53 = arith.constant 0.000000e+00 : f32
    %broadcast_in_dim3A_54 = vector.broadcast %jit3A_53 : f32 to vector<2000x20xf32>
    %select_n3A_55 = arith.select %eq3A_52, %sub3A_40, %broadcast_in_dim3A_54 : vector<2000x20xi1>, vector<2000x20xf32>
    %reduce_sum3A_56 = arith.constant dense<0.000000e+00> : vector<2000xf32>
    %reduce_sum3A_57 = vector.multi_reduction <add>, %select_n3A_55, %reduce_sum3A_56 [1] : vector<2000x20xf32> to vector<2000xf32>
    %neg3A = arith.constant 0.000000e+00 : f32
    %neg3A_58 = vector.broadcast %neg3A : f32 to vector<2000xf32>
    %neg3A_59 = arith.subf %neg3A_58, %reduce_sum3A_57 : vector<2000xf32>
    %get3A_60 = arith.constant 0 : index
    %get3A_61 = arith.constant 0 : index
    %get3A_62 = vector.load %arg4[%get3A_60, %get3A_61] : memref<1x20xf32, #tpu.memory_space<vmem>>, vector<1x20xf32>
    %jit3A_63 = arith.constant 0.000000e+00 : f32
    %broadcast_in_dim3A_64 = vector.shape_cast %get3A_62 : vector<1x20xf32> to vector<1x20xf32>
    %broadcast_in_dim3A_65 = vector.broadcast %broadcast_in_dim3A_64 : vector<1x20xf32> to vector<2000x20xf32>
    %broadcast_in_dim3A_66 = vector.broadcast %jit3A_63 : f32 to vector<2000x20xf32>
    %select_n3A_67 = arith.select %eq3A_52, %broadcast_in_dim3A_65, %broadcast_in_dim3A_66 : vector<2000x20xi1>, vector<2000x20xf32>
    %reduce_sum3A_68 = arith.constant dense<0.000000e+00> : vector<2000xf32>
    %reduce_sum3A_69 = vector.multi_reduction <add>, %select_n3A_67, %reduce_sum3A_68 [1] : vector<2000x20xf32> to vector<2000xf32>
    %convert_element_type3A = arith.extui %ne3A_49 : vector<2000xi1> to vector<2000xi32>
    %convert_element_type3A_70 = arith.sitofp %convert_element_type3A : vector<2000xi32> to vector<2000xf32>
    %mul3A = arith.mulf %reduce_sum3A_69, %convert_element_type3A_70 : vector<2000xf32>
    %eq3A_71 = arith.constant 0 : i32
    %eq3A_72 = arith.cmpi eq, %arg0, %eq3A_71 : i32
    %convert_element_type3A_73 = arith.extui %eq3A_72 : i1 to i32
    %cond3A = arith.constant 0 : i32
    %cond3A_74 = arith.cmpi ne, %convert_element_type3A_73, %cond3A : i32
    scf.if %cond3A_74 {
      %swap3A_101 = arith.constant 0.000000e+00 : f32
      %swap3A_102 = arith.constant 0 : index
      %swap3A_103 = memref.load %arg11[%swap3A_102] : memref<2xf32, #tpu.memory_space<smem>>
      memref.store %swap3A_101, %arg11[%swap3A_102] : memref<2xf32, #tpu.memory_space<smem>>
      %swap3A_104 = arith.constant 0.000000e+00 : f32
      %swap3A_105 = arith.constant 1 : index
      %swap3A_106 = memref.load %arg11[%swap3A_105] : memref<2xf32, #tpu.memory_space<smem>>
      memref.store %swap3A_104, %arg11[%swap3A_105] : memref<2xf32, #tpu.memory_space<smem>>
    } else {
    }
    %get3A_75 = arith.constant 0 : index
    %get3A_76 = memref.load %arg11[%get3A_75] : memref<2xf32, #tpu.memory_space<smem>>
    %mul3A_77 = arith.mulf %mul3A, %neg3A_59 : vector<2000xf32>
    %reduce_sum3A_78 = vector.shape_cast %mul3A_77 : vector<2000xf32> to vector<1x2000xf32>
    %reduce_sum3A_79 = arith.constant dense<0.000000e+00> : vector<1xf32>
    %reduce_sum3A_80 = vector.multi_reduction <add>, %reduce_sum3A_78, %reduce_sum3A_79 [1] : vector<1x2000xf32> to vector<1xf32>
    %reduce_sum3A_81 = vector.shape_cast %reduce_sum3A_80 : vector<1xf32> to vector<1x1xf32>
    %reduce_sum3A_82 = vector.extract %reduce_sum3A_81[0, 0] : f32 from vector<1x1xf32>
    %add3A_83 = arith.addf %get3A_76, %reduce_sum3A_82 : f32
    %swap3A_84 = arith.constant 0 : index
    %swap3A_85 = memref.load %arg11[%swap3A_84] : memref<2xf32, #tpu.memory_space<smem>>
    memref.store %add3A_83, %arg11[%swap3A_84] : memref<2xf32, #tpu.memory_space<smem>>
    %get3A_86 = arith.constant 1 : index
    %get3A_87 = memref.load %arg11[%get3A_86] : memref<2xf32, #tpu.memory_space<smem>>
    %reduce_sum3A_88 = vector.shape_cast %mul3A : vector<2000xf32> to vector<1x2000xf32>
    %reduce_sum3A_89 = arith.constant dense<0.000000e+00> : vector<1xf32>
    %reduce_sum3A_90 = vector.multi_reduction <add>, %reduce_sum3A_88, %reduce_sum3A_89 [1] : vector<1x2000xf32> to vector<1xf32>
    %reduce_sum3A_91 = vector.shape_cast %reduce_sum3A_90 : vector<1xf32> to vector<1x1xf32>
    %reduce_sum3A_92 = vector.extract %reduce_sum3A_91[0, 0] : f32 from vector<1x1xf32>
    %add3A_93 = arith.addf %get3A_87, %reduce_sum3A_92 : f32
    %swap3A_94 = arith.constant 1 : index
    %swap3A_95 = memref.load %arg11[%swap3A_94] : memref<2xf32, #tpu.memory_space<smem>>
    memref.store %add3A_93, %arg11[%swap3A_94] : memref<2xf32, #tpu.memory_space<smem>>
    %eq3A_96 = arith.constant 4 : i32
    %eq3A_97 = arith.cmpi eq, %arg0, %eq3A_96 : i32
    %convert_element_type3A_98 = arith.extui %eq3A_97 : i1 to i32
    %cond3A_99 = arith.constant 0 : i32
    %cond3A_100 = arith.cmpi ne, %convert_element_type3A_98, %cond3A_99 : i32
    scf.if %cond3A_100 {
      %get3A_101 = arith.constant 0 : index
      %get3A_102 = memref.load %arg11[%get3A_101] : memref<2xf32, #tpu.memory_space<smem>>
      %get3A_103 = arith.constant 1 : index
      %get3A_104 = memref.load %arg11[%get3A_103] : memref<2xf32, #tpu.memory_space<smem>>
      %div3A = arith.divf %get3A_102, %get3A_104 : f32
      %broadcast_in_dim3A_105 = vector.broadcast %div3A : f32 to vector<1x1xf32>
      %swap3A_106 = arith.constant 0 : index
      %swap3A_107 = arith.constant 0 : index
      %swap3A_108 = vector.load %arg10[%swap3A_106, %swap3A_107] : memref<1x1xf32, #tpu.memory_space<vmem>>, vector<1x1xf32>
      tpu.vector_store %arg10[%swap3A_106, %swap3A_107], %broadcast_in_dim3A_105 {strides = array<i32>} : memref<1x1xf32, #tpu.memory_space<vmem>>, vector<1x1xf32>,
    } else {
    }
    return
  }
  func.func @transform_0(%arg0: i32) -> (i32, i32) {
    %c0_i32 = arith.constant 0 : i32
    %c0_i32_0 = arith.constant 0 : i32
    return %arg0, %c0_i32 : i32, i32
  }
  func.func @transform_1(%arg0: i32) -> (i32, i32, i32) {
    %c0_i32 = arith.constant 0 : i32
    %c0_i32_0 = arith.constant 0 : i32
    %c0_i32_1 = arith.constant 0 : i32
    return %c0_i32, %arg0, %c0_i32_0 : i32, i32, i32
  }
  func.func @transform_2(%arg0: i32) -> (i32, i32, i32) {
    %c0_i32 = arith.constant 0 : i32
    %c0_i32_0 = arith.constant 0 : i32
    %c0_i32_1 = arith.constant 0 : i32
    return %arg0, %c0_i32, %c0_i32_0 : i32, i32, i32
  }
  func.func @transform_3(%arg0: i32) -> (i32, i32) {
    %c0_i32 = arith.constant 0 : i32
    %c0_i32_0 = arith.constant 0 : i32
    %c0_i32_1 = arith.constant 0 : i32
    return %c0_i32, %c0_i32_0 : i32, i32
  }
  func.func @transform_4(%arg0: i32) -> (i32, i32) {
    %c0_i32 = arith.constant 0 : i32
    %c0_i32_0 = arith.constant 0 : i32
    %c0_i32_1 = arith.constant 0 : i32
    return %c0_i32, %c0_i32_0 : i32, i32
  }
  func.func @transform_5(%arg0: i32) -> (i32, i32) {
    %c0_i32 = arith.constant 0 : i32
    %c0_i32_0 = arith.constant 0 : i32
    %c0_i32_1 = arith.constant 0 : i32
    return %c0_i32, %c0_i32_0 : i32, i32
  }
  func.func @transform_6(%arg0: i32) -> (i32, i32) {
    %c0_i32 = arith.constant 0 : i32
    %c0_i32_0 = arith.constant 0 : i32
    %c0_i32_1 = arith.constant 0 : i32
    return %c0_i32, %c0_i32_0 : i32, i32
  }
  func.func @transform_7(%arg0: i32) -> (i32, i32) {
    %c0_i32 = arith.constant 0 : i32
    %c0_i32_0 = arith.constant 0 : i32
    %c0_i32_1 = arith.constant 0 : i32
    return %c0_i32, %c0_i32_0 : i32, i32
  }
  func.func @transform_8(%arg0: i32) -> (i32, i32) {
    %c0_i32 = arith.constant 0 : i32
    %c0_i32_0 = arith.constant 0 : i32
    return %arg0, %c0_i32 : i32, i32
  }
  func.func @transform_9(%arg0: i32) -> (i32, i32) {
    %c0_i32 = arith.constant 0 : i32
    %c0_i32_0 = arith.constant 0 : i32
    %c0_i32_1 = arith.constant 0 : i32
    return %c0_i32, %c0_i32_0 : i32, i32
  }
}

</mosaic_0001>

<sc_bundles>
// kernel: kernel.4.cloned.1.call-start
scs
__scs_entry_jumppad:
0x0: {  	(pc) =	sbr.rel $0x88, $3  }
0x1: {  	(tag) =	ssettag $0x0;
	lr =	simm.s32 $0x1  }
0x2: {  	[smem:$0x3F99] =	sst lr;
	_ =	strace $0xD0000000  }
0x3: {  	_ = 	snop  }
0x4: {  	_ = 	snop  }
0x5: {  	_ = 	snop  }
0x6: {  	_ = 	snop  }
0x7: {  	_ = 	snop  }
__scs_overlays_trampoline_lowered:
0x8: {  	[smem:$0x3FA8] =	sst s0  }
0x9: {  	[smem:$0x3FA9] =	sst s1  }
0xa: {  	[smem:$0x3FAA] =	sst s2  }
0xb: {  	[smem:$0x3FAB] =	sst s3  }
0xc: {  	[smem:$0x3FAC] =	sst s4  }
0xd: {  	[smem:$0x3FAD] =	sst s5  }
0xe: {  	[smem:$0x3FAE] =	sst s6  }
0xf: {  	[smem:$0x3FAF] =	sst s7  }
0x10: {  	[smem:$0x3FB0] =	sst s8  }
0x11: {  	[smem:$0x3FB1] =	sst s9;
	s0 =	simm.s32 @!p0 $0x0  }
0x12: {  	s1 =	sld [smem:$0x3F97];
	s0 =	simm.s32 @p0 $0x1  }
0x13: {  	[smem:$0x3FB2] =	sst s0;
	s0 =	simm.s32 @!p1 $0x0  }
0x14: {  	s2 =	sld [smem:$0x3F96];
	s0 =	simm.s32 @p1 $0x1  }
0x15: {  	[smem:$0x3FB3] =	sst s0;
	s0 =	simm.s32 @!p2 $0x0  }
0x16: {  	s3 =	sld [smem:$0x3FDB];
	s0 =	simm.s32 @p2 $0x1  }
0x17: {  	s4 =	simm.s32 $0x1BF5;
	[smem:$0x3FB5] =	sst s0  }
0x18: {  	s0 =	sld [smem:$0x3F98];
	_ =	swait.ge [sflag:s4], $0x0  }
0x19: {  	s7 =	sld [smem:$0x3F99]  }
0x1a: {  	s8 =	sadd.s32 $0xFFFFE003, lr  }
0x1b: {  	s9 =	sadd.s32 $0xFFFFFEF7, lr;
	s5 =	simm.s32 $0xFFFFFFFF;
	p2 =	slt.u32 s8, $0xFFFFF086  }
0x1c: {  	p1 =	slt.u32 s9, $0xF7A;
	s5 =	simm.s32 @!p2 $0x0  }
0x1d: {  	s5 =	simm.s32 @p1 $0x1;
	p0 =	seq.s32 s7, s2  }
0x1e: {  	s7 =	smul.u32 @!p0 $0xF7A, s2;
	p2 =	seq.s32 @!p0 s5, $0x0  }
0x1f: {  	s9 =	smul.u32 $0xF7A, s1;
	s8 =	simm.s32 @!p0 $0x1BF5;
	p2 =	por !p2, p0  }
0x20: {  	[sflag:s8] =	ssyncset.s32 @!p0 $0xFFFFF086;
	s6 =	sadd.s32 @!p0 s3, s7;
	s7 =	simm.s32 @!p0 $0x108  }
0x21: {  	s3 =	sadd.s32 s3, s9;
	s6 =	sadd.s32 @!p0 $0x88, s6;
	s7 =	simm.s32 @p2 $0x1082  }
0x22: {  	[simem:s7], [sflag:s8] =	dma.local @!p0 [hbm:s6], $0xF7A  }
0x23: {  	s9 =	sor.u32 $0xD0000000, s2;
	s6 =	simm.s32 $0x108;
	_ =	swait.ge @!p0 [sflag:s8], $0x0  }
0x24: {  	s3 =	sadd.s32 $0x88, s3;
	s6 =	simm.s32 @!p1 $0x1082;
	[sflag:s4] =	ssyncset.s32 $0xFFFFF086  }
0x25: {  	[simem:s6], [sflag:s4] =	dma.local [hbm:s3], $0xF7A  }
0x26: {  	[smem:$0x3F99] =	sst s1;
	(tag) =	ssettag s2;
	_ =	strace s9  }
0x27: {  	s1 =	sld [smem:$0x3FA9]  }
0x28: {  	s2 =	sld [smem:$0x3FAA]  }
0x29: {  	s4 =	sld [smem:$0x3FAC]  }
0x2a: {  	p0 =	seq.s32 s5, $0x0;
	s5 =	sld [smem:$0x3FAD]  }
0x2b: {  	s6 =	sld [smem:$0x3FAE]  }
0x2c: {  	s7 =	sld [smem:$0x3FAF]  }
0x2d: {  	s3 =	simm.s32 $0x108;
	s8 =	sld [smem:$0x3FB0]  }
0x2e: {  	s3 =	simm.s32 @!p0 $0x1082;
	s9 =	sld [smem:$0x3FB1]  }
0x2f: {  	lr =	sadd.s32 s0, s3;
	s0 =	sld [smem:$0x3FA8]  }
0x30: {  	s3 =	sld [smem:$0x3FAB]  }
0x31: {  	[smem:$0x3FB4] =	sst s10  }
0x32: {  	s10 =	sld [smem:$0x3FB2];
	_ =	sdelay $0x3  }
0x33: {  	p0 =	seq.s32 s10, $0x1;
	s10 =	sld [smem:$0x3FB4];
	_ =	sdelay $0x3  }
0x34: {  	[smem:$0x3FB4] =	sst s10  }
0x35: {  	s10 =	sld [smem:$0x3FB3];
	_ =	sdelay $0x3  }
0x36: {  	p1 =	seq.s32 s10, $0x1;
	s10 =	sld [smem:$0x3FB4];
	_ =	sdelay $0x3  }
0x37: {  	[smem:$0x3FB4] =	sst s10  }
0x38: {  	s10 =	sld [smem:$0x3FB5]  }
0x39: {  	_ = 	snop;
	(pc) =	sbr.ind lr, $3  }
0x3a: {  	_ = 	snop  }
0x3b: {  	_ = 	snop  }
0x3c: {  	p2 =	seq.s32 s10, $0x1;
	s10 =	sld [smem:$0x3FB4]  }
0x3d: {  	_ =	shalt  }
0x3e: {  	_ =	shalt  }
0x3f: {  	_ =	shalt  }
0x40: {  	_ =	shalt  }
0x41: {  	_ =	shalt  }
0x42: {  	_ =	shalt  }
0x43: {  	_ =	shalt  }
0x44: {  	_ =	shalt  }
0x45: {  	_ =	shalt  }
0x46: {  	_ =	shalt  }
0x47: {  	_ =	shalt  }
0x48: {  	_ =	shalt  }
0x49: {  	_ =	shalt  }
0x4a: {  	_ =	shalt  }
0x4b: {  	_ =	shalt  }
0x4c: {  	_ =	shalt  }
0x4d: {  	_ =	shalt  }
0x4e: {  	_ =	shalt  }
0x4f: {  	_ =	shalt  }
0x50: {  	_ =	shalt  }
0x51: {  	_ =	shalt  }
0x52: {  	_ =	shalt  }
0x53: {  	_ =	shalt  }
0x54: {  	_ =	shalt  }
0x55: {  	_ =	shalt  }
0x56: {  	_ =	shalt  }
0x57: {  	_ =	shalt  }
0x58: {  	_ =	shalt  }
0x59: {  	_ =	shalt  }
0x5a: {  	_ =	shalt  }
0x5b: {  	_ =	shalt  }
0x5c: {  	_ =	shalt  }
0x5d: {  	_ =	shalt  }
0x5e: {  	_ =	shalt  }
0x5f: {  	_ =	shalt  }
0x60: {  	_ =	shalt  }
0x61: {  	_ =	shalt  }
0x62: {  	_ =	shalt  }
0x63: {  	_ =	shalt  }
0x64: {  	_ =	shalt  }
0x65: {  	_ =	shalt  }
0x66: {  	_ =	shalt  }
0x67: {  	_ =	shalt  }
0x68: {  	_ =	shalt  }
0x69: {  	_ =	shalt  }
0x6a: {  	_ =	shalt  }
0x6b: {  	_ =	shalt  }
0x6c: {  	_ =	shalt  }
0x6d: {  	_ =	shalt  }
0x6e: {  	_ =	shalt  }
0x6f: {  	_ =	shalt  }
0x70: {  	_ =	shalt  }
0x71: {  	_ =	shalt  }
0x72: {  	_ =	shalt  }
0x73: {  	_ =	shalt  }
0x74: {  	_ =	shalt  }
0x75: {  	_ =	shalt  }
0x76: {  	_ =	shalt  }
0x77: {  	_ =	shalt  }
0x78: {  	_ =	shalt  }
0x79: {  	_ =	shalt  }
0x7a: {  	_ =	shalt  }
0x7b: {  	_ =	shalt  }
0x7c: {  	_ =	shalt  }
0x7d: {  	_ =	shalt  }
0x7e: {  	_ =	shalt  }
0x7f: {  	_ =	shalt  }
0x80: {  	_ =	shalt  }
0x81: {  	_ =	shalt  }
0x82: {  	_ =	shalt  }
0x83: {  	_ =	shalt  }
0x84: {  	_ =	shalt  }
0x85: {  	_ =	shalt  }
0x86: {  	_ =	shalt  }
0x87: {  	_ =	shalt  }
.Lfunc_end0:
.L_simem_size_0:
called_computation_lowered:
.L_overlay_start_0:
0x88: {  	s2 =	sld [smem:$0x3FD9]  }
0x89: {  	s3 =	sld [smem:$0x3FFE];
	_ =	sdelay $0x1  }
0x8a: {  	s1 =	srdreg.scid  }
0x8b: {  	s0 =	sand.u32 $0x1, s1  }
0x8c: {  	s17 =	sshll.u32 s0, $0xA;
	s2 =	sadd.s32 s3, s2  }
0x8d: {  	s2 =	sadd.s32 s2, s17  }
0x8e: {  	[smem:$0x3FC0] =	sst s2  }
0x8f: {  	_ = 	snop  }
0x90: {  	s2 =	sld [smem:$0x3FC9];
	(tm) =	ssettm $0x1  }
0x91: {  	s18 =	sld [smem:$0x3FFB];
	_ =	sdelay $0x3  }
0x92: {  	_ =	strace s18  }
0x93: {  	s3 =	sld [smem:$0x3FFC];
	_ =	sdelay $0x3  }
0x94: {  	_ =	strace s3  }
0x95: {  	s3 =	sld [smem:$0x3FFD];
	_ =	sdelay $0x3  }
0x96: {  	_ =	strace s3  }
0x97: {  	_ =	strace $0x8FFFFFFF  }
0x98: {  	s19 =	sld [smem:$0x3FDB];
	_ =	sdelay $0x1  }
0x99: {  	s4 =	simm.s32 $_scs_section_size  }
0x9a: {  	s5 =	simm.s32 $_size__tile_overlayer_lowered;
	s6 =	simm.s32 $_tile_overlayer_lowered  }
0x9b: {  	s22 =	simm.s32 $0x1BFF;
	s21 =	sshll.u32 s6, $0x1;
	s3 =	sadd.s32 s4, s19  }
0x9c: {  	s7 =	simm.s32 $0x0;
	s20 =	sshll.u32 s5, $0x1;
	s5 =	sadd.s32 s21, s3  }
0x9d: {  	[timem:s7], [sflag:s22] =	dma.local [hbm:s5], s20  }
0x9e: {  	_ =	swait.ge [sflag:s22], s20  }
0x9f: {  	s4 =	ssub.s32 $0x0, s20;
	[sflag:s22] =	ssyncset.done $0x0  }
0xa0: {  	[sflag:s22] =	ssyncadd.s32 s4;
	_ =	sdelay $0x1  }
0xa1: {  	s23 =	simm.s32 $0x1B8B  }
0xa2: {  	_ =	swait.ge [sflag:s23], $0x1  }
0xa3: {  	[sflag:s23] =	ssyncset.done $0x0  }
0xa4: {  	s25 =	simm.s32 $0x1B8E;
	s24 =	sld [smem:$0x3FFE];
	[sflag:s23] =	ssyncadd.s32 $0xFFFFFFFF  }
0xa5: {  	s26 =	simm.s32 $execute0_lowered;
	[smem:$0x3FD2] =	sst s25  }
0xa6: {  	s5 =	sshll.u32 s26, $0x1;
	_ =	strace $0x80000046;
	[dreg:$0x1] =	wrdreg $0xFFFFFFFF  }
0xa7: {  	s28 =	simm.s32 $_size_execute0_lowered;
	s3 =	sadd.s32 s3, s5;
	[dreg:$0x0] =	wrdreg $0x0  }
0xa8: {  	s5 =	sshll.u32 s28, $0x1;
	[dreg:$0x2] =	wrdreg s3  }
0xa9: {  	[dreg:$0x3] =	wrdreg s5  }
0xaa: {  	[dreg:$0x4] =	wrdreg $0xC0  }
0xab: {  	_ =	task [dreg:s7], $0x5FFFF  }
0xac: {  	[dreg:$0x1] =	wrdreg $0xFFFFFFFF  }
0xad: {  	[dreg:$0x0] =	wrdreg $0x60  }
0xae: {  	[dreg:$0x2] =	wrdreg s2  }
0xaf: {  	[dreg:$0x3] =	wrdreg s24  }
0xb0: {  	[dreg:$0x4] =	wrdreg $0x0  }
0xb1: {  	[dreg:$0x5] =	wrdreg $0x9  }
0xb2: {  	_ =	task.clear_ibuf [dreg:s7], $0x6FFFF;
	_ =	strace $0x90000046  }
0xb3: {  	s29 =	simm.s32 $0x9;
	_ =	strace $0x80000048  }
0xb4: {  	_ =	swait.ge [sflag:s29], $0x1  }
0xb5: {  	[sflag:s29] =	ssyncadd.s32 $0xFFFFFFFF  }
0xb6: {  	_ =	strace $0x90000048  }
0xb7: {  	_ =	sfence  }
0xb8: {  	s30 =	sld [smem:$0x0];
	_ =	sdelay $0x2  }
0xb9: {  	s31 =	sshll.u32 s1, $0xD;
	s1 =	sshrl.u32 s1, $0x2  }
0xba: {  	s3 =	sand.u32 $0x4000, s31;
	s1 =	sadd.s32 s1, s30  }
0xbb: {  	s0 =	sor.u32 s3, s0;
	s1 =	sshll.u32 s1, $0x11  }
0xbc: {  	s0 =	sor.u32 s1, s0  }
0xbd: {  	s0 =	sadd.s32 $0x8F2B, s0  }
0xbe: {  	[sflag:s0] =	ssyncadd.remote.s32 $0x1  }
0xbf: {  	_ =	sfence.sel $0xFFFF  }
0xc0: {  	[dreg:$0x0] =	wrdreg $0xFFFFFFFF;
	(pc) =	sbr.abs _section_cstart, $3  }
0xc1: {  	[dreg:$0x1] =	wrdreg $0xFFFFFFFF  }
0xc2: {  	_ =	task.clear_ibuf [dreg:s7], $0x2FFFF;
	_ =	strace $0x9FFFFFFF  }
0xc3: {  	(tm) =	ssettm $0x7FFFFFFF  }
tec
execute0_lowered:
.L_overlay_start_1:
0x0: {  	(tag) =	ssettag $0x1  }
0x1: {  	s0 =	srdreg.scid;
	s1 =	rddreg [dreg:$0x0]  }
0x2: {  	s2 =	rddreg [dreg:$0x1];
	s8 =	stileid.u32  }
0x3: {  	s3 =	rddreg [dreg:$0x2];
	s5 =	simm.s32 $0x0;
	s28 =	simm.s32 $0x14000  }
0x4: {  	s29 =	simm.s32 $0x50;
	s31 =	simm.s32 $0x1B700;
	s30 =	simm.s32 $0x18F00  }
0x5: {  	s0 =	sand.u32 $0x1, s0;
	[smem:$0x7FF] =	sst s5;
	s6 =	smul.u32 $0x50000, s8  }
0x6: {  	s26 =	smul.u32 $0x14000, s8;
	s4 =	sshll.u32 s0, $0x4;
	s21 =	ssub.s32 $0x2, s0  }
0x7: {  	_ =	strace $0x80000047;
	s0 =	smul.u32 $0x140000, s0;
	s6 =	sshrl.u32 s6, $0x2  }
0x8: {  	s4 =	sor.u32 s8, s4;
	s7 =	sshrl.u32 s21, $0x1;
	s25 =	sadd.s32 s6, s3  }
0x9: {  	s11 =	sadd.s32 $0x4000, s26;
	s23 =	sadd.s32 $0x2800, s25;
	[dreg:$0x6] =	wrdreg s25  }
0xa: {  	s16 =	sadd.s32 $0xC000, s26;
	s24 =	sadd.s32 $0x5000, s25;
	[dreg:$0x7] =	wrdreg s23  }
0xb: {  	s4 =	smul.u32 $0x2710, s4;
	s6 =	sadd.s32 $0x7800, s25;
	[dreg:$0x8] =	wrdreg s24  }
0xc: {  	s5 =	ssub.s32 s21, s7;
	s8 =	sadd.s32 $0xA000, s25;
	[dreg:$0x9] =	wrdreg s6  }
0xd: {  	s18 =	sadd.s32 s0, s16;
	s9 =	sadd.s32 $0xC800, s25;
	[dreg:$0xa] =	wrdreg s8  }
0xe: {  	s20 =	sadd.s32 s16, s3;
	s10 =	sadd.s32 $0xF000, s25;
	[dreg:$0xb] =	wrdreg s9  }
0xf: {  	s16 =	simm.s32 $0x6;
	s12 =	sadd.s32 $0x11800, s25;
	[dreg:$0xc] =	wrdreg s10  }
0x10: {  	s4 =	sshrl.u32 s4, $0x3;
	[dreg:$0xd] =	wrdreg s12;
	s8 =	sadd.s32 s26, s0  }
0x11: {  	s9 =	sadd.s32 s0, s11;
	s10 =	sadd.s32 $0x8000, s26;
	s6 =	sadd.s32 s11, s3  }
0x12: {  	s11 =	simm.s32 $0x3;
	s12 =	simm.s32 $0x1BF00;
	s4 =	sadd.s32 s4, s2  }
0x13: {  	s2 =	sadd.s32 $0x15600, s2;
	s8 =	sshrl.u32 s8, $0x3;
	s9 =	sshrl.u32 s9, $0x3  }
0x14: {  	s15 =	sadd.s32 s0, s10;
	s10 =	sadd.s32 s10, s3;
	s23 =	sshrl.u32 s6, $0x3  }
0x15: {  	s6 =	simm.s32 $0x19F00;
	s22 =	sadd.s32 $0x1C00, s4;
	[dreg:$0x14] =	wrdreg s23  }
0x16: {  	s4 =	sadd.s32 $0xB840, s4;
	s13 =	sadd.s32 s2, s8;
	[dreg:$0x4] =	wrdreg s22  }
0x17: {  	s14 =	sadd.s32 s2, s9;
	s8 =	sshrl.u32 s15, $0x3;
	[dreg:$0x5] =	wrdreg s4  }
0x18: {  	s24 =	sshrl.u32 s10, $0x3;
	s9 =	simm.s32 $0x1AF00;
	[dreg:$0xe] =	wrdreg s13  }
0x19: {  	s10 =	simm.s32 $0x5;
	s15 =	simm.s32 $0x1D700;
	[dreg:$0xf] =	wrdreg s14  }
0x1a: {  	s17 =	sadd.s32 s2, s8;
	s4 =	sadd.s32 $0x10000, s26;
	s8 =	sshrl.u32 s18, $0x3  }
0x1b: {  	s22 =	smax.u32 s5, $0x1;
	[dreg:$0x15] =	wrdreg s24;
	s26 =	sshrl.u32 s20, $0x3  }
0x1c: {  	s5 =	simm.s32 $0x19700;
	s13 =	simm.s32 $0x1C700;
	s14 =	simm.s32 $0x1CF00  }
0x1d: {  	s18 =	simm.s32 $0x1E700;
	s20 =	simm.s32 $0x7;
	[dreg:$0x10] =	wrdreg s17  }
0x1e: {  	s0 =	sadd.s32 s0, s4;
	s19 =	sadd.s32 s2, s8;
	[dreg:$0x13] =	wrdreg s22  }
0x1f: {  	s21 =	sadd.s32 s4, s3;
	[dreg:$0x16] =	wrdreg s26;
	s26 =	simm.s32 $0x1DF00  }
.Ltmp0:
0x20: {  	s4 =	simm.s32 $0x2;
	s8 =	simm.s32 $0x1A700;
	(pc) =	sbr.rel .LBB2_1-.Ltmp0, $4  }
0x21: {  	s17 =	simm.s32 $0x4;
	s22 =	simm.s32 $0x0;
	s0 =	sshrl.u32 s0, $0x3  }
0x22: {  	[dreg:$0x11] =	wrdreg s19;
	s19 =	simm.s32 $0x1F700;
	s0 =	sadd.s32 s2, s0  }
0x23: {  	s2 =	simm.s32 $0x40;
	[dreg:$0x12] =	wrdreg s0;
	s0 =	sshrl.u32 s21, $0x3  }
0x24: {  	v0 =	vimm.f32 $0.0e+00;
	vm0 =	vmmov $0xffff;
	s21 =	simm.s32 $0x1EF00;
	[dreg:$0x17] =	wrdreg s0;
	s0 =	simm.s32 $0x8  }
.LBB2_6:
0x25: {  	_ =	swait.ge [sflag:s4], $0x2800  }
0x26: {  	[sflag:s4] =	ssyncset.done $0x0  }
0x27: {  	[sflag:s4] =	ssyncadd.s32 $0xFFFFD800  }
0x28: {  	v1 =	vld [tilespmem:$0x18E00];
	_ =	sdelay $0x7  }
0x29: {  	[spmem:s3] =	stream.indirect_vreg.scatter.add.f32 [tilespmem:s30], [sflag:$0x5], $0x80, v1, vm0, $0xb8;
	[tilespmem:$0x1FF00] =	vst v63  }
0x2a: {  	v1 =	vld [tilespmem:$0x18E10];
	_ =	sdelay $0x7  }
0x2b: {  	[spmem:s3] =	stream.indirect_vreg.scatter.add.f32 [tilespmem:s5], [sflag:$0x5], $0x80, v1, vm0, $0xb8;
	[tilespmem:$0x1FF00] =	vst v63  }
0x2c: {  	v1 =	vld [tilespmem:$0x18E20];
	_ =	sdelay $0x7  }
0x2d: {  	[spmem:s3] =	stream.indirect_vreg.scatter.add.f32 [tilespmem:s6], [sflag:$0x5], $0x80, v1, vm0, $0xb8;
	[tilespmem:$0x1FF00] =	vst v63  }
0x2e: {  	v1 =	vld [tilespmem:$0x18E30];
	_ =	sdelay $0x7  }
0x2f: {  	[spmem:s3] =	stream.indirect_vreg.scatter.add.f32 [tilespmem:s8], [sflag:$0x5], $0x80, v1, vm0, $0xb8;
	[tilespmem:$0x1FF00] =	vst v63  }
0x30: {  	v1 =	vld [tilespmem:$0x18E40];
	_ =	sdelay $0x7  }
0x31: {  	[spmem:s3] =	stream.indirect_vreg.scatter.add.f32 [tilespmem:s9], [sflag:$0x5], $0x80, v1, vm0, $0xb8;
	[tilespmem:$0x1FF00] =	vst v63  }
0x32: {  	_ =	swait.ge [sflag:s10], $0x800  }
0x33: {  	[sflag:s10] =	ssyncset.done $0x0  }
0x34: {  	[sflag:s10] =	ssyncadd.s32 $0xFFFFF800  }
0x35: {  	_ =	swait.ge [sflag:s10], $0x800  }
0x36: {  	[sflag:s10] =	ssyncset.done $0x0  }
0x37: {  	[sflag:s10] =	ssyncadd.s32 $0xFFFFF800  }
0x38: {  	_ =	swait.ge [sflag:s10], $0x800  }
0x39: {  	[sflag:s10] =	ssyncset.done $0x0  }
0x3a: {  	[sflag:s10] =	ssyncadd.s32 $0xFFFFF800  }
0x3b: {  	_ =	swait.ge [sflag:s10], $0x800  }
0x3c: {  	[sflag:s10] =	ssyncset.done $0x0  }
0x3d: {  	[sflag:s10] =	ssyncadd.s32 $0xFFFFF800  }
0x3e: {  	_ =	swait.ge [sflag:s10], $0x800  }
0x3f: {  	[sflag:s10] =	ssyncset.done $0x0  }
0x40: {  	[sflag:s10] =	ssyncadd.s32 $0xFFFFF800  }
0x41: {  	_ =	swait.ge [sflag:s11], $0x2000  }
0x42: {  	[sflag:s11] =	ssyncset.done $0x0  }
0x43: {  	[sflag:s11] =	ssyncadd.s32 $0xFFFFE000  }
0x44: {  	v1 =	vld [tilespmem:$0x18E50];
	_ =	sdelay $0x7  }
0x45: {  	[spmem:s3] =	stream.indirect_vreg.scatter.add.f32 [tilespmem:s31], [sflag:$0x6], $0x80, v1, vm0, $0xb8;
	[tilespmem:$0x1FF00] =	vst v63  }
0x46: {  	v1 =	vld [tilespmem:$0x18E60];
	_ =	sdelay $0x7  }
0x47: {  	[spmem:s3] =	stream.indirect_vreg.scatter.add.f32 [tilespmem:s12], [sflag:$0x6], $0x80, v1, vm0, $0xb8;
	[tilespmem:$0x1FF00] =	vst v63  }
0x48: {  	v1 =	vld [tilespmem:$0x18E70];
	_ =	sdelay $0x7  }
0x49: {  	[spmem:s3] =	stream.indirect_vreg.scatter.add.f32 [tilespmem:s13], [sflag:$0x6], $0x80, v1, vm0, $0xb8;
	[tilespmem:$0x1FF00] =	vst v63  }
0x4a: {  	v1 =	vld [tilespmem:$0x18E80];
	_ =	sdelay $0x7  }
0x4b: {  	[spmem:s3] =	stream.indirect_vreg.scatter.add.f32 [tilespmem:s14], [sflag:$0x6], $0x80, v1, vm0, $0xb8;
	[tilespmem:$0x1FF00] =	vst v63  }
0x4c: {  	_ =	swait.ge [sflag:s16], $0x800  }
0x4d: {  	[sflag:s16] =	ssyncset.done $0x0  }
0x4e: {  	[sflag:s16] =	ssyncadd.s32 $0xFFFFF800  }
0x4f: {  	_ =	swait.ge [sflag:s16], $0x800  }
0x50: {  	[sflag:s16] =	ssyncset.done $0x0  }
0x51: {  	[sflag:s16] =	ssyncadd.s32 $0xFFFFF800  }
0x52: {  	_ =	swait.ge [sflag:s16], $0x800  }
0x53: {  	[sflag:s16] =	ssyncset.done $0x0  }
0x54: {  	[sflag:s16] =	ssyncadd.s32 $0xFFFFF800  }
0x55: {  	_ =	swait.ge [sflag:s16], $0x800  }
0x56: {  	[sflag:s16] =	ssyncset.done $0x0  }
0x57: {  	[sflag:s16] =	ssyncadd.s32 $0xFFFFF800  }
0x58: {  	s7 =	stileid.u32;
	[bflag:$0x0] =	sbarrier.arrive $0xFFFF  }
0x59: {  	s7 =	sshll.u32 s7, $0x6;
	s25 =	rddreg [dreg:$0x6]  }
0x5a: {  	s7 =	sor.u32 $0x1C08, s7;
	s23 =	rddreg [dreg:$0xe];
	s22 =	sshrl.u32 s25, $0x3  }
0x5b: {  	[hbm:s23], [sflag:s7] =	dma.local [spmem:s22], $0x800  }
0x5c: {  	_ =	swait.ge [sflag:s0], $0x800  }
0x5d: {  	[sflag:s0] =	ssyncset.done $0x0;
	s23 =	rddreg [dreg:$0xf]  }
0x5e: {  	s24 =	rddreg [dreg:$0x14];
	[sflag:s0] =	ssyncadd.s32 $0xFFFFF800  }
0x5f: {  	[hbm:s23], [sflag:s7] =	dma.local [spmem:s24], $0x800  }
0x60: {  	_ =	swait.ge [sflag:s0], $0x800  }
0x61: {  	[sflag:s0] =	ssyncset.done $0x0;
	s23 =	rddreg [dreg:$0x10]  }
0x62: {  	s24 =	rddreg [dreg:$0x15];
	[sflag:s0] =	ssyncadd.s32 $0xFFFFF800  }
0x63: {  	[hbm:s23], [sflag:s7] =	dma.local [spmem:s24], $0x800  }
0x64: {  	_ =	swait.ge [sflag:s0], $0x800  }
0x65: {  	[sflag:s0] =	ssyncset.done $0x0;
	s23 =	rddreg [dreg:$0x11]  }
0x66: {  	s24 =	rddreg [dreg:$0x16];
	[sflag:s0] =	ssyncadd.s32 $0xFFFFF800  }
0x67: {  	[hbm:s23], [sflag:s7] =	dma.local [spmem:s24], $0x800  }
0x68: {  	_ =	swait.ge [sflag:s0], $0x800  }
0x69: {  	[sflag:s0] =	ssyncset.done $0x0;
	s23 =	rddreg [dreg:$0x12]  }
0x6a: {  	s24 =	rddreg [dreg:$0x17];
	[sflag:s0] =	ssyncadd.s32 $0xFFFFF800  }
0x6b: {  	[hbm:s23], [sflag:s7] =	dma.local [spmem:s24], $0x800  }
0x6c: {  	_ =	swait.ge [sflag:s0], $0x800  }
0x6d: {  	s23 =	rddreg [dreg:$0x18]  }
0x6e: {  	s24 =	rddreg [dreg:$0x13];
	s22 =	sadd.s32 $0x1, s23  }
0x6f: {  	p0 =	sne.s32 s22, s24  }
.Ltmp1:
0x70: {  	_ = 	snop;
	(pc) =	sbr.rel @!p0 .LBB2_7-.Ltmp1, $3  }
0x71: {  	_ =	sdelay $0x1  }
0x72: {  	[sflag:s0] =	ssyncset.done $0x0  }
0x73: {  	s28 =	simm.s32 $0x14000;
	[sflag:s0] =	ssyncadd.s32 $0xFFFFF800  }
.LBB2_1:
0x74: {  	[dreg:$0x18] =	wrdreg s22  }
0x75: {  	s7 =	simm.s32 $0x0;
	s23 =	rddreg [dreg:$0x4]  }
0x76: {  	[tilespmem:s28], [sflag:$0x1] =	stream.linear.gather [hbm4b:s23+s7], $0x2710, $0x38;
	[tilespmem:$0x1FF00] =	vst v63  }
0x77: {  	s24 =	rddreg [dreg:$0x5];
	s22 =	simm.s32 $0x1;
	s23 =	simm.s32 $0x16780  }
0x78: {  	[tilespmem:s23], [sflag:$0x1] =	stream.linear.gather [hbm4b:s24+s7], $0x2710, $0x38;
	[tilespmem:$0x1FF00] =	vst v63  }
0x79: {  	_ =	swait.ge [sflag:s22], $0x2710  }
0x7a: {  	[sflag:s22] =	ssyncset.done $0x0  }
0x7b: {  	[sflag:s22] =	ssyncadd.s32 $0xFFFFD8F0  }
0x7c: {  	_ =	swait.ge [sflag:s22], $0x2710  }
0x7d: {  	[sflag:s22] =	ssyncset.done $0x0  }
0x7e: {  	s23 =	simm.s32 $0x14050;
	[sflag:s22] =	ssyncadd.s32 $0xFFFFD8F0  }
0x7f: {  	[tilespmem:s31], [sflag:$0x3] =	stream.indirect.gather [hbm4b:s1+s29], $0x80, s23, s29, $0xb8;
	[tilespmem:$0x1FF00] =	vst v63  }
0x80: {  	s24 =	simm.s32 $0x140A0  }
0x81: {  	[tilespmem:s26], [sflag:$0x4] =	stream.indirect.gather [hbm4b:s1+s2], $0x80, s24, s2, $0xb8;
	[tilespmem:$0x1FF00] =	vst v63  }
0x82: {  	s23 =	simm.s32 $0x70;
	s24 =	simm.s32 $0x3C0  }
.LBB2_2:
0x83: {  	p0 =	sne.s32 s24, $0x9FC0;
	[tilespmem:s23+$0x18F00] =	vst v0  }
0x84: {  	[tilespmem:s23+$0x18E90] =	vst v0  }
0x85: {  	[tilespmem:s23+$0x18EA0] =	vst v0  }
.Ltmp2:
0x86: {  	[tilespmem:s23+$0x18EB0] =	vst v0;
	(pc) =	sbr.rel @p0 .LBB2_2-.Ltmp2, $4  }
0x87: {  	[tilespmem:s23+$0x18EC0] =	vst v0  }
0x88: {  	[tilespmem:s23+$0x18ED0] =	vst v0  }
0x89: {  	[tilespmem:s23+$0x18EE0] =	vst v0  }
0x8a: {  	[tilespmem:s23+$0x18EF0] =	vst v0;
	s23 =	sshra.s32 s24, $0x2;
	s24 =	sadd.s32 $0x200, s24  }
0x8b: {  	[tilespmem:s23+$0x18F00] =	vst v0  }
0x8c: {  	[tilespmem:s23+$0x18E90] =	vst v0  }
0x8d: {  	[tilespmem:s23+$0x18EA0] =	vst v0  }
0x8e: {  	[tilespmem:s23+$0x18EB0] =	vst v0  }
0x8f: {  	[tilespmem:s23+$0x18EC0] =	vst v0  }
0x90: {  	[tilespmem:s23+$0x18ED0] =	vst v0  }
0x91: {  	[tilespmem:s23+$0x18EE0] =	vst v0  }
0x92: {  	[tilespmem:s23+$0x18EF0] =	vst v0  }
0x93: {  	[spmem:s25] =	stream.linear.scatter [tilespmem:s30], [sflag:$0x8], $0x2800, $0x38;
	[tilespmem:$0x1FF00] =	vst v63  }
0x94: {  	_ =	swait.ge [sflag:s0], $0x2800  }
0x95: {  	[sflag:s0] =	ssyncset.done $0x0  }
0x96: {  	s7 =	rddreg [dreg:$0x7];
	[sflag:s0] =	ssyncadd.s32 $0xFFFFD800  }
0x97: {  	[spmem:s7] =	stream.linear.scatter [tilespmem:s30], [sflag:$0x8], $0x2800, $0x38;
	[tilespmem:$0x1FF00] =	vst v63  }
0x98: {  	_ =	swait.ge [sflag:s0], $0x2800  }
0x99: {  	[sflag:s0] =	ssyncset.done $0x0  }
0x9a: {  	s24 =	rddreg [dreg:$0x8];
	[sflag:s0] =	ssyncadd.s32 $0xFFFFD800  }
0x9b: {  	[spmem:s24] =	stream.linear.scatter [tilespmem:s30], [sflag:$0x8], $0x2800, $0x38;
	[tilespmem:$0x1FF00] =	vst v63  }
0x9c: {  	_ =	swait.ge [sflag:s0], $0x2800  }
0x9d: {  	[sflag:s0] =	ssyncset.done $0x0  }
0x9e: {  	s25 =	rddreg [dreg:$0x9];
	[sflag:s0] =	ssyncadd.s32 $0xFFFFD800  }
0x9f: {  	[spmem:s25] =	stream.linear.scatter [tilespmem:s30], [sflag:$0x8], $0x2800, $0x38;
	[tilespmem:$0x1FF00] =	vst v63  }
0xa0: {  	_ =	swait.ge [sflag:s0], $0x2800  }
0xa1: {  	[sflag:s0] =	ssyncset.done $0x0  }
0xa2: {  	s22 =	rddreg [dreg:$0xa];
	[sflag:s0] =	ssyncadd.s32 $0xFFFFD800  }
0xa3: {  	[spmem:s22] =	stream.linear.scatter [tilespmem:s30], [sflag:$0x8], $0x2800, $0x38;
	[tilespmem:$0x1FF00] =	vst v63  }
0xa4: {  	_ =	swait.ge [sflag:s0], $0x2800  }
0xa5: {  	[sflag:s0] =	ssyncset.done $0x0  }
0xa6: {  	s23 =	rddreg [dreg:$0xb];
	[sflag:s0] =	ssyncadd.s32 $0xFFFFD800  }
0xa7: {  	[spmem:s23] =	stream.linear.scatter [tilespmem:s30], [sflag:$0x8], $0x2800, $0x38;
	[tilespmem:$0x1FF00] =	vst v63  }
0xa8: {  	_ =	swait.ge [sflag:s0], $0x2800  }
0xa9: {  	[sflag:s0] =	ssyncset.done $0x0  }
0xaa: {  	s24 =	rddreg [dreg:$0xc];
	[sflag:s0] =	ssyncadd.s32 $0xFFFFD800  }
0xab: {  	[spmem:s24] =	stream.linear.scatter [tilespmem:s30], [sflag:$0x8], $0x2800, $0x38;
	[tilespmem:$0x1FF00] =	vst v63  }
0xac: {  	_ =	swait.ge [sflag:s0], $0x2800  }
0xad: {  	[sflag:s0] =	ssyncset.done $0x0  }
0xae: {  	s25 =	rddreg [dreg:$0xd];
	[sflag:s0] =	ssyncadd.s32 $0xFFFFD800  }
0xaf: {  	[spmem:s25] =	stream.linear.scatter [tilespmem:s30], [sflag:$0x8], $0x2800, $0x38;
	[tilespmem:$0x1FF00] =	vst v63  }
0xb0: {  	_ =	swait.ge [sflag:s0], $0x2800  }
0xb1: {  	[sflag:s0] =	ssyncset.done $0x0  }
0xb2: {  	s23 =	simm.s32 $0x0;
	[sflag:s0] =	ssyncadd.s32 $0xFFFFD800  }
0xb3: {  	s24 =	simm.s32 $0x14180;
	s25 =	simm.s32 $0x167F0;
	[bflag:$0x0] =	sbarrier.arrive $0xFFFF  }
0xb4: {  	[tilespmem:s30], [sflag:$0x2] =	stream.indirect.gather [hbm4b:s1+s29], $0x80, s28, s29, $0xb8;
	[tilespmem:$0x1FF00] =	vst v63  }
.LBB2_4:
0xb5: {  	_ =	swait.ge [sflag:s4], $0x2800  }
0xb6: {  	[sflag:s4] =	ssyncset.done $0x0  }
0xb7: {  	[sflag:s4] =	ssyncadd.s32 $0xFFFFD800  }
0xb8: {  	v1 =	vld [tilespmem:s25+$0xFFFFFF90];
	_ =	sdelay $0x7  }
0xb9: {  	[spmem:s3] =	stream.indirect_vreg.scatter.add.f32 [tilespmem:s30], [sflag:$0x5], $0x80, v1, vm0, $0xb8;
	[tilespmem:$0x1FF00] =	vst v63  }
0xba: {  	v1 =	vld [tilespmem:s25+$0xFFFFFFA0];
	_ =	sdelay $0x7  }
0xbb: {  	[spmem:s3] =	stream.indirect_vreg.scatter.add.f32 [tilespmem:s5], [sflag:$0x5], $0x80, v1, vm0, $0xb8;
	[tilespmem:$0x1FF00] =	vst v63  }
0xbc: {  	v1 =	vld [tilespmem:s25+$0xFFFFFFB0];
	_ =	sdelay $0x7  }
0xbd: {  	[spmem:s3] =	stream.indirect_vreg.scatter.add.f32 [tilespmem:s6], [sflag:$0x5], $0x80, v1, vm0, $0xb8;
	[tilespmem:$0x1FF00] =	vst v63  }
0xbe: {  	v1 =	vld [tilespmem:s25+$0xFFFFFFC0];
	_ =	sdelay $0x7  }
0xbf: {  	[spmem:s3] =	stream.indirect_vreg.scatter.add.f32 [tilespmem:s8], [sflag:$0x5], $0x80, v1, vm0, $0xb8;
	[tilespmem:$0x1FF00] =	vst v63  }
0xc0: {  	v1 =	vld [tilespmem:s25+$0xFFFFFFD0];
	_ =	sdelay $0x7  }
0xc1: {  	[spmem:s3] =	stream.indirect_vreg.scatter.add.f32 [tilespmem:s9], [sflag:$0x5], $0x80, v1, vm0, $0xb8;
	[tilespmem:$0x1FF00] =	vst v63  }
0xc2: {  	_ =	swait.ge [sflag:s10], $0x800  }
0xc3: {  	[sflag:s10] =	ssyncset.done $0x0  }
0xc4: {  	[sflag:s10] =	ssyncadd.s32 $0xFFFFF800  }
0xc5: {  	_ =	swait.ge [sflag:s10], $0x800  }
0xc6: {  	[sflag:s10] =	ssyncset.done $0x0  }
0xc7: {  	[sflag:s10] =	ssyncadd.s32 $0xFFFFF800  }
0xc8: {  	_ =	swait.ge [sflag:s10], $0x800  }
0xc9: {  	[sflag:s10] =	ssyncset.done $0x0  }
0xca: {  	[sflag:s10] =	ssyncadd.s32 $0xFFFFF800  }
0xcb: {  	_ =	swait.ge [sflag:s10], $0x800  }
0xcc: {  	[sflag:s10] =	ssyncset.done $0x0  }
0xcd: {  	[sflag:s10] =	ssyncadd.s32 $0xFFFFF800  }
0xce: {  	_ =	swait.ge [sflag:s10], $0x800  }
0xcf: {  	[sflag:s10] =	ssyncset.done $0x0  }
0xd0: {  	s7 =	sadd.s32 $0xFFFFFF60, s24;
	[sflag:s10] =	ssyncadd.s32 $0xFFFFF800  }
0xd1: {  	[tilespmem:s30], [sflag:$0x2] =	stream.indirect.gather [hbm4b:s1+s29], $0x80, s7, s29, $0xb8;
	[tilespmem:$0x1FF00] =	vst v63  }
0xd2: {  	_ =	swait.ge [sflag:s11], $0x2800  }
0xd3: {  	[sflag:s11] =	ssyncset.done $0x0  }
0xd4: {  	[sflag:s11] =	ssyncadd.s32 $0xFFFFD800  }
0xd5: {  	v1 =	vld [tilespmem:s25+$0xFFFFFFE0];
	_ =	sdelay $0x7  }
0xd6: {  	[spmem:s3] =	stream.indirect_vreg.scatter.add.f32 [tilespmem:s31], [sflag:$0x6], $0x80, v1, vm0, $0xb8;
	[tilespmem:$0x1FF00] =	vst v63  }
0xd7: {  	v1 =	vld [tilespmem:s25+$0xFFFFFFF0];
	_ =	sdelay $0x7  }
0xd8: {  	[spmem:s3] =	stream.indirect_vreg.scatter.add.f32 [tilespmem:s12], [sflag:$0x6], $0x80, v1, vm0, $0xb8;
	[tilespmem:$0x1FF00] =	vst v63  }
0xd9: {  	v1 =	vld [tilespmem:s25+$0x0];
	_ =	sdelay $0x6  }
0xda: {  	s28 =	sand.u32 $0x3FE0, s23  }
0xdb: {  	[spmem:s3] =	stream.indirect_vreg.scatter.add.f32 [tilespmem:s13], [sflag:$0x6], $0x80, v1, vm0, $0xb8;
	[tilespmem:$0x1FF00] =	vst v63  }
0xdc: {  	v1 =	vld [tilespmem:s28+$0x16800];
	_ =	sdelay $0x7  }
0xdd: {  	[spmem:s3] =	stream.indirect_vreg.scatter.add.f32 [tilespmem:s14], [sflag:$0x6], $0x80, v1, vm0, $0xb8;
	[tilespmem:$0x1FF00] =	vst v63  }
0xde: {  	v1 =	vld [tilespmem:s25+$0x20];
	_ =	sdelay $0x7  }
0xdf: {  	[spmem:s3] =	stream.indirect_vreg.scatter.add.f32 [tilespmem:s15], [sflag:$0x6], $0x80, v1, vm0, $0xb8;
	[tilespmem:$0x1FF00] =	vst v63  }
0xe0: {  	_ =	swait.ge [sflag:s16], $0x800  }
0xe1: {  	[sflag:s16] =	ssyncset.done $0x0  }
0xe2: {  	[sflag:s16] =	ssyncadd.s32 $0xFFFFF800  }
0xe3: {  	_ =	swait.ge [sflag:s16], $0x800  }
0xe4: {  	[sflag:s16] =	ssyncset.done $0x0  }
0xe5: {  	[sflag:s16] =	ssyncadd.s32 $0xFFFFF800  }
0xe6: {  	_ =	swait.ge [sflag:s16], $0x800  }
0xe7: {  	[sflag:s16] =	ssyncset.done $0x0  }
0xe8: {  	[sflag:s16] =	ssyncadd.s32 $0xFFFFF800  }
0xe9: {  	_ =	swait.ge [sflag:s16], $0x800  }
0xea: {  	[sflag:s16] =	ssyncset.done $0x0  }
0xeb: {  	[sflag:s16] =	ssyncadd.s32 $0xFFFFF800  }
0xec: {  	p0 =	seq.s32 s23, $0x25A0;
	_ =	swait.ge [sflag:s16], $0x800  }
0xed: {  	s22 =	simm.s32 @p0 $0x1B700;
	[sflag:s16] =	ssyncset.done $0x0  }
0xee: {  	s7 =	simm.s32 @p0 $0x40;
	s28 =	simm.s32 @p0 $0x166D0;
	[sflag:s16] =	ssyncadd.s32 $0xFFFFF800  }
0xef: {  	[tilespmem:s22], [sflag:$0x3] =	stream.indirect.gather @p0 [hbm4b:s1+s7], $0x80, s28, s7, $0xb8;
	[tilespmem:$0x1FF00] =	vst v63  }
0xf0: {  	s7 =	sadd.s32 @!p0 $0xFFFFFFB0, s24;
	s22 =	simm.s32 @!p0 $0x50;
	s28 =	simm.s32 @!p0 $0x1B700  }
0xf1: {  	[tilespmem:s28], [sflag:$0x3] =	stream.indirect.gather @!p0 [hbm4b:s1+s22], $0x80, s7, s22, $0xb8;
	[tilespmem:$0x1FF00] =	vst v63  }
0xf2: {  	_ =	swait.ge [sflag:s17], $0x2000  }
0xf3: {  	[sflag:s17] =	ssyncset.done $0x0  }
0xf4: {  	[sflag:s17] =	ssyncadd.s32 $0xFFFFE000  }
0xf5: {  	v1 =	vld [tilespmem:s25+$0x30];
	_ =	sdelay $0x7  }
0xf6: {  	[spmem:s3] =	stream.indirect_vreg.scatter.add.f32 [tilespmem:s26], [sflag:$0x7], $0x80, v1, vm0, $0xb8;
	[tilespmem:$0x1FF00] =	vst v63  }
0xf7: {  	v1 =	vld [tilespmem:s25+$0x40];
	_ =	sdelay $0x7  }
0xf8: {  	[spmem:s3] =	stream.indirect_vreg.scatter.add.f32 [tilespmem:s18], [sflag:$0x7], $0x80, v1, vm0, $0xb8;
	[tilespmem:$0x1FF00] =	vst v63  }
0xf9: {  	v1 =	vld [tilespmem:s25+$0x50];
	_ =	sdelay $0x7  }
0xfa: {  	[spmem:s3] =	stream.indirect_vreg.scatter.add.f32 [tilespmem:s21], [sflag:$0x7], $0x80, v1, vm0, $0xb8;
	[tilespmem:$0x1FF00] =	vst v63  }
0xfb: {  	v1 =	vld [tilespmem:s25+$0x60];
	_ =	sdelay $0x7  }
0xfc: {  	[spmem:s3] =	stream.indirect_vreg.scatter.add.f32 [tilespmem:s19], [sflag:$0x7], $0x80, v1, vm0, $0xb8;
	[tilespmem:$0x1FF00] =	vst v63  }
0xfd: {  	_ =	swait.ge [sflag:s20], $0x800  }
0xfe: {  	[sflag:s20] =	ssyncset.done $0x0  }
0xff: {  	[sflag:s20] =	ssyncadd.s32 $0xFFFFF800  }
0x100: {  	_ =	swait.ge [sflag:s20], $0x800  }
0x101: {  	[sflag:s20] =	ssyncset.done $0x0  }
0x102: {  	[sflag:s20] =	ssyncadd.s32 $0xFFFFF800  }
0x103: {  	_ =	swait.ge [sflag:s20], $0x800  }
.Ltmp3:
0x104: {  	[sflag:s20] =	ssyncset.done $0x0;
	(pc) =	sbr.rel @p0 .LBB2_6-.Ltmp3, $4  }
0x105: {  	[sflag:s20] =	ssyncadd.s32 $0xFFFFF800  }
0x106: {  	_ =	swait.ge [sflag:s20], $0x800  }
0x107: {  	[sflag:s20] =	ssyncset.done $0x0  }
0x108: {  	[sflag:s20] =	ssyncadd.s32 $0xFFFFF800  }
.Ltmp4:
0x109: {  	(pc) =	sbr.rel .LBB2_4-.Ltmp4, $3  }
0x10a: {  	_ =	sdelay $0x1  }
0x10b: {  	[tilespmem:s26], [sflag:$0x4] =	stream.indirect.gather [hbm4b:s1+s2], $0x80, s24, s2, $0xb8;
	[tilespmem:$0x1FF00] =	vst v63  }
0x10c: {  	s23 =	sadd.s32 $0xE0, s23;
	s24 =	sadd.s32 $0xE0, s24;
	s25 =	sadd.s32 $0xE0, s25  }
.LBB2_7:
0x10d: {  	_ =	sfence.sel $0x180000  }
0x10e: {  	[bflag:$0x0] =	sbarrier.arrive $0xFFFF  }
0x10f: {  	_ =	strace $0x90000047  }
0x110: {  	s0 =	stileid.u32;
	[bflag:$0x2] =	sbarrier.arrive $0xFFFF  }
0x111: {  	p0 =	sne.s32 s0, $0x0;
	s0 =	rddreg [dreg:$0x3]  }
0x112: {  	s0 =	sadd.s32 @!p0 $0x100000, s0  }
0x113: {  	[sflag:s0] =	ssyncadd.tile.s32 @!p0 $0x1;
	_ =	shalt  }
.Lfunc_end2:
_tile_overlayer_lowered:
.L_overlay_start_2:
0x114: {  	(tag) =	ssettag $0x2  }
0x115: {  	s0 =	rddreg [dreg:$0x0];
	s2 =	stileid.u32  }
0x116: {  	s1 =	rddreg [dreg:$0x1];
	p0 =	sne.s32 s2, $0x0  }
0x117: {  	s3 =	rddreg [dreg:$0x2];
	[bflag:$0x3] =	sbarrier.arrive $0xFFFF;
	s2 =	simm.s32 @!p0 $0x1C08  }
0x118: {  	[timem:s3], [sflag:s2] =	dma.local @!p0 [hbm:s0], s1  }
0x119: {  	s0 =	simm.s32 @!p0 $0x8  }
0x11a: {  	_ =	swait.ge @!p0 [sflag:s0], s1  }
0x11b: {  	s1 =	ssub.s32 @!p0 $0x0, s1;
	[sflag:s0] =	ssyncset.done @!p0 $0x0  }
0x11c: {  	[sflag:s0] =	ssyncadd.s32 @!p0 s1  }
0x11d: {  	[bflag:$0x3] =	sbarrier.arrive $0xFFFF  }
0x11e: {  	_ =	shalt  }

</sc_bundles>
